<compile_context>
chip_gen: v7x
topology: tpu7x:2x2x1
jax: 0.10.2.dev20260603
libtpu: 0.0.44.dev20260713+nightly
codegen_flags: <defaults>
</compile_context>

<pallas_src>
import functools

import jax
import jax.numpy as jnp
from jax import lax
from jax.experimental import pallas as pl
from jax.experimental.pallas import tpu as pltpu
from jax.experimental.pallas import tpu_sc as plsc

BATCH = 16384
DIM = 128
HIDDEN = 64
NUM_CORES = 2
NUM_SUBCORES = 16
NUM_WORKERS = NUM_CORES * NUM_SUBCORES
B_PER_W = BATCH // NUM_WORKERS
CHUNK = 128
NBUF = 7
NCHUNKS_PER_TABLE = B_PER_W // CHUNK
NCHUNKS = 2 * NCHUNKS_PER_TABLE


def _sc_gather(emb_p, emb_n, idx_p, idx_n):
  mesh = plsc.VectorSubcoreMesh(core_axis_name="c", subcore_axis_name="s")

  @functools.partial(
      pl.kernel,
      mesh=mesh,
      out_type=jax.ShapeDtypeStruct((BATCH, 2 * DIM), jnp.float32),
      scratch_types=[
          pltpu.VMEM((B_PER_W,), jnp.int32),
          pltpu.VMEM((B_PER_W,), jnp.int32),
          pltpu.VMEM((NBUF, CHUNK, DIM), jnp.float32),
          pltpu.SemaphoreType.DMA((NBUF,)),
          pltpu.SemaphoreType.DMA((NBUF,)),
      ],
  )
  def gather_kernel(embp_hbm, embn_hbm, idxp_hbm, idxn_hbm,
                    out_hbm, idxp_v, idxn_v, rows_v, gsem, wsem):
    wid = lax.axis_index("s") * NUM_CORES + lax.axis_index("c")
    base = wid * B_PER_W
    cp0 = pltpu.make_async_copy(
        idxp_hbm.at[pl.ds(base, B_PER_W)], idxp_v, gsem.at[0])
    cp1 = pltpu.make_async_copy(
        idxn_hbm.at[pl.ds(base, B_PER_W)], idxn_v, gsem.at[1])
    cp0.start()
    cp1.start()
    cp0.wait()
    cp1.wait()

    sched = []
    for k in range(NCHUNKS_PER_TABLE):
      sched.append((idxp_v, embp_hbm, 0, k * CHUNK))
    for k in range(NCHUNKS_PER_TABLE):
      sched.append((idxn_v, embn_hbm, DIM, k * CHUNK))

    def g_start(c):
      idx_v, emb, _, off = sched[c]
      b = c % NBUF
      return pltpu.async_copy(
          emb.at[idx_v.at[pl.ds(off, CHUNK)]], rows_v.at[b], gsem.at[b])

    def w_start(c):
      _, _, col, off = sched[c]
      b = c % NBUF
      return pltpu.async_copy(
          rows_v.at[b],
          out_hbm.at[pl.ds(base + off, CHUNK), pl.ds(col, DIM)], wsem.at[b])

    gathers = [None] * NCHUNKS
    writes = [None] * NCHUNKS
    for c in range(min(NBUF, NCHUNKS)):
      gathers[c] = g_start(c)
    for c in range(NCHUNKS):
      gathers[c].wait()
      writes[c] = w_start(c)
      nxt = c + NBUF
      if nxt < NCHUNKS:
        writes[c].wait()
        gathers[nxt] = g_start(nxt)
    for c in range(max(0, NCHUNKS - NBUF), NCHUNKS):
      writes[c].wait()

  return gather_kernel(emb_p, emb_n, idx_p, idx_n)


def _tc_mlp(rows, w1, b1_row, w2, b2_11):
  bm = 8192
  grid = (BATCH // bm,)
  dn = (((1,), (1,)), ((), ()))

  def body(r_ref, w1_ref, b1_ref, w2_ref, b2_ref, o_ref):
    h = lax.dot_general(r_ref[...], w1_ref[...], dn,
                        preferred_element_type=jnp.float32)
    h = jnp.maximum(h + b1_ref[...], 0.0)
    o_ref[...] = jnp.sum(h * w2_ref[...], axis=1, keepdims=True) + b2_ref[0, 0]

  return pl.pallas_call(
      body,
      grid=grid,
      in_specs=[
          pl.BlockSpec((bm, 2 * DIM), lambda i: (i, 0)),
          pl.BlockSpec((HIDDEN, 2 * DIM), lambda i: (0, 0)),
          pl.BlockSpec((1, HIDDEN), lambda i: (0, 0)),
          pl.BlockSpec((1, HIDDEN), lambda i: (0, 0)),
          pl.BlockSpec((1, 1), lambda i: (0, 0)),
      ],
      out_specs=pl.BlockSpec((bm, 1), lambda i: (i, 0)),
      out_shape=jax.ShapeDtypeStruct((BATCH, 1), jnp.float32),
      compiler_params=pltpu.CompilerParams(
          dimension_semantics=("parallel",)),
  )(rows, w1, b1_row, w2, b2_11)


@jax.jit
def kernel(x, emb_proton, emb_neutron, W1, b1, W2, b2):
  idx = x.astype(jnp.int32)
  idx_p = idx[:, 0]
  idx_n = idx[:, 1]
  rows = _sc_gather(emb_proton, emb_neutron, idx_p, idx_n)
  b1_row = b1.reshape(1, HIDDEN)
  b2_11 = b2.reshape(1, 1)
  return _tc_mlp(rows, W1, b1_row, W2, b2_11)

# --- scband reference (transcript-rebuilt; emitter-appended) ---
"""Pipeline reference for scband-two-dim-model-raw-77721728188756 (READ-ONLY COPY).

The authoritative reference and input builder live on the scoring server;
editing this copy changes nothing except your own understanding.
"""

import jax, jax.numpy as jnp
import numpy as np

N_PROTONS = 100000
N_NEUTRONS = 100000
INTERIM_DIM = 128
HIDDEN_DIM = 64
BATCH = 16384

def setup_inputs(seed: int = 0) -> dict:
    key = jax.random.key(seed)
    k1, k2, k3, k4, k5, k6, k7 = jax.random.split(key, 7)
    x = jax.random.randint(k1, (BATCH, 2), 0, N_PROTONS, dtype=jnp.int64) if jax.config.jax_enable_x64 else jax.random.randint(k1, (BATCH, 2), 0, N_PROTONS).astype(jnp.int32)
    # embedding tables initialized uniform(-1, 1) as in the torch module
    emb_proton = jax.random.uniform(k2, (N_PROTONS, INTERIM_DIM), dtype=jnp.float32, minval=-1.0, maxval=1.0)
    emb_neutron = jax.random.uniform(k3, (N_NEUTRONS, INTERIM_DIM), dtype=jnp.float32, minval=-1.0, maxval=1.0)
    # linear layers: torch default init ~ U(-1/sqrt(fan_in), 1/sqrt(fan_in))
    fan1 = 2 * INTERIM_DIM
    b1lim = 1.0 / np.sqrt(fan1)
    W1 = jax.random.uniform(k4, (HIDDEN_DIM, fan1), dtype=jnp.float32, minval=-b1lim, maxval=b1lim)
    b1 = jax.random.uniform(k5, (HIDDEN_DIM,), dtype=jnp.float32, minval=-b1lim, maxval=b1lim)
    b2lim = 1.0 / np.sqrt(HIDDEN_DIM)
    W2 = jax.random.uniform(k6, (1, HIDDEN_DIM), dtype=jnp.float32, minval=-b2lim, maxval=b2lim)
    b2 = jax.random.uniform(k7, (1,), dtype=jnp.float32, minval=-b2lim, maxval=b2lim)
    return {"x": x, "emb_proton": emb_proton, "emb_neutron": emb_neutron, "W1": W1, "b1": b1, "W2": W2, "b2": b2}

def reference(x, emb_proton, emb_neutron, W1, b1, W2, b2):
    proton = jnp.take(emb_proton, x[:, 0], axis=0)
    neutron = jnp.take(emb_neutron, x[:, 1], axis=0)
    h = jnp.concatenate([proton, neutron], axis=1)  # torch.hstack on 2D == cat dim=1; Flatten is a no-op on 2D
    h = jnp.maximum(h @ W1.T + b1, 0.0)
    out = h @ W2.T + b2
    return out

if __name__ == "__main__":
    import jax
    _d = setup_inputs()
    print(jax.jit(kernel)(*tuple(_d.values())))

</pallas_src>

<mosaic_0001>
#map = affine_map<(d0, d1) -> (0, 0)>
#map1 = affine_map<(d0, d1) -> (0)>
module attributes {stable_mosaic.version = 14 : i64} {
  func.func @gather_kernel(%arg0: i32, %arg1: i32, %arg2: memref<100000x128xf32, #tpu.memory_space<hbm>>, %arg3: memref<100000x128xf32, #tpu.memory_space<hbm>>, %arg4: memref<16384xi32, #tpu.memory_space<hbm>>, %arg5: memref<16384xi32, #tpu.memory_space<hbm>>, %arg6: memref<16384x256xf32, #tpu.memory_space<hbm>>, %arg7: memref<512xi32, #tpu.memory_space<vmem>>, %arg8: memref<512xi32, #tpu.memory_space<vmem>>, %arg9: memref<7x128x128xf32, #tpu.memory_space<vmem>>, %arg10: memref<7x!tpu.dma_semaphore, #tpu.memory_space<semaphore_mem>>, %arg11: memref<7x!tpu.dma_semaphore, #tpu.memory_space<semaphore_mem>>) attributes {dimension_semantics = [#tpu.dimension_semantics<core_parallel>, #tpu.dimension_semantics<subcore_parallel>], iteration_bounds = array<i64: 2, 16>, scalar_prefetch = 0 : i64, scratch_operands = 5 : i64, tpu.core_type = #tpu.core_type<sc_vector_subcore>, window_params = [{transform_indices = #map}, {transform_indices = #map}, {transform_indices = #map1}, {transform_indices = #map1}, {transform_indices = #map}]} {
    %mul3A = arith.constant 2 : i32
    %mul3A_0 = arith.muli %arg1, %mul3A : i32
    %add3A = arith.addi %mul3A_0, %arg0 : i32
    %mul3A_1 = arith.constant 512 : i32
    %mul3A_2 = arith.muli %add3A, %mul3A_1 : i32
    %dma_start3A = arith.constant 0 : i32
    %dma_start3A_3 = tpu.memref_slice %arg4[%mul3A_2] : memref<16384xi32, #tpu.memory_space<hbm>> -> memref<512xi32, #tpu.memory_space<hbm>>
    %dma_start3A_4 = tpu.memref_slice %arg10[%dma_start3A] : memref<7x!tpu.dma_semaphore, #tpu.memory_space<semaphore_mem>> -> memref<1x!tpu.dma_semaphore, #tpu.memory_space<semaphore_mem>>
    %dma_start3A_5 = tpu.memref_squeeze %dma_start3A_4 : memref<1x!tpu.dma_semaphore, #tpu.memory_space<semaphore_mem>> -> memref<!tpu.dma_semaphore, #tpu.memory_space<semaphore_mem>>
    %dma_start3A_6 = tpu.memref_slice %arg4[%mul3A_2] : memref<16384xi32, #tpu.memory_space<hbm>> -> memref<512xi32, #tpu.memory_space<hbm>>
    tpu.enqueue_dma source(%dma_start3A_6 : memref<512xi32, #tpu.memory_space<hbm>>) target(%arg7 : memref<512xi32, #tpu.memory_space<vmem>>) target_semaphore(%dma_start3A_5 : memref<!tpu.dma_semaphore, #tpu.memory_space<semaphore_mem>>)
    %dma_start3A_7 = arith.constant 1 : i32
    %dma_start3A_8 = tpu.memref_slice %arg5[%mul3A_2] : memref<16384xi32, #tpu.memory_space<hbm>> -> memref<512xi32, #tpu.memory_space<hbm>>
    %dma_start3A_9 = tpu.memref_slice %arg10[%dma_start3A_7] : memref<7x!tpu.dma_semaphore, #tpu.memory_space<semaphore_mem>> -> memref<1x!tpu.dma_semaphore, #tpu.memory_space<semaphore_mem>>
    %dma_start3A_10 = tpu.memref_squeeze %dma_start3A_9 : memref<1x!tpu.dma_semaphore, #tpu.memory_space<semaphore_mem>> -> memref<!tpu.dma_semaphore, #tpu.memory_space<semaphore_mem>>
    %dma_start3A_11 = tpu.memref_slice %arg5[%mul3A_2] : memref<16384xi32, #tpu.memory_space<hbm>> -> memref<512xi32, #tpu.memory_space<hbm>>
    tpu.enqueue_dma source(%dma_start3A_11 : memref<512xi32, #tpu.memory_space<hbm>>) target(%arg8 : memref<512xi32, #tpu.memory_space<vmem>>) target_semaphore(%dma_start3A_10 : memref<!tpu.dma_semaphore, #tpu.memory_space<semaphore_mem>>)
    %dma_wait3A = arith.constant 0 : i32
    %dma_wait3A_12 = tpu.memref_slice %arg4[%mul3A_2] : memref<16384xi32, #tpu.memory_space<hbm>> -> memref<512xi32, #tpu.memory_space<hbm>>
    %dma_wait3A_13 = tpu.memref_slice %arg10[%dma_wait3A] : memref<7x!tpu.dma_semaphore, #tpu.memory_space<semaphore_mem>> -> memref<1x!tpu.dma_semaphore, #tpu.memory_space<semaphore_mem>>
    %dma_wait3A_14 = tpu.memref_squeeze %dma_wait3A_13 : memref<1x!tpu.dma_semaphore, #tpu.memory_space<semaphore_mem>> -> memref<!tpu.dma_semaphore, #tpu.memory_space<semaphore_mem>>
    %dma_wait3A_15 = tpu.memref_slice %arg4[%mul3A_2] : memref<16384xi32, #tpu.memory_space<hbm>> -> memref<512xi32, #tpu.memory_space<hbm>>
    tpu.wait_dma2 semaphore(%dma_wait3A_14 : memref<!tpu.dma_semaphore, #tpu.memory_space<semaphore_mem>>) src(%dma_wait3A_15 : memref<512xi32, #tpu.memory_space<hbm>>) dst(%arg7 : memref<512xi32, #tpu.memory_space<vmem>>)
    %dma_wait3A_16 = arith.constant 1 : i32
    %dma_wait3A_17 = tpu.memref_slice %arg5[%mul3A_2] : memref<16384xi32, #tpu.memory_space<hbm>> -> memref<512xi32, #tpu.memory_space<hbm>>
    %dma_wait3A_18 = tpu.memref_slice %arg10[%dma_wait3A_16] : memref<7x!tpu.dma_semaphore, #tpu.memory_space<semaphore_mem>> -> memref<1x!tpu.dma_semaphore, #tpu.memory_space<semaphore_mem>>
    %dma_wait3A_19 = tpu.memref_squeeze %dma_wait3A_18 : memref<1x!tpu.dma_semaphore, #tpu.memory_space<semaphore_mem>> -> memref<!tpu.dma_semaphore, #tpu.memory_space<semaphore_mem>>
    %dma_wait3A_20 = tpu.memref_slice %arg5[%mul3A_2] : memref<16384xi32, #tpu.memory_space<hbm>> -> memref<512xi32, #tpu.memory_space<hbm>>
    tpu.wait_dma2 semaphore(%dma_wait3A_19 : memref<!tpu.dma_semaphore, #tpu.memory_space<semaphore_mem>>) src(%dma_wait3A_20 : memref<512xi32, #tpu.memory_space<hbm>>) dst(%arg8 : memref<512xi32, #tpu.memory_space<vmem>>)
    %dma_start3A_21 = arith.constant 0 : i32
    %dma_start3A_22 = arith.constant 0 : i32
    %dma_start3A_23 = arith.constant 0 : i32
    %dma_start3A_24 = arith.constant 0 : i32
    %dma_start3A_25 = tpu.memref_slice %arg9[%dma_start3A_21, %dma_start3A_23, %dma_start3A_24] : memref<7x128x128xf32, #tpu.memory_space<vmem>> -> memref<1x128x128xf32, #tpu.memory_space<vmem>>
    %dma_start3A_26 = tpu.memref_squeeze %dma_start3A_25 : memref<1x128x128xf32, #tpu.memory_space<vmem>> -> memref<128x128xf32, #tpu.memory_space<vmem>>
    %dma_start3A_27 = arith.constant 0 : i32
    %dma_start3A_28 = tpu.memref_slice %arg7[%dma_start3A_27] : memref<512xi32, #tpu.memory_space<vmem>> -> memref<128xi32, #tpu.memory_space<vmem>>
    %dma_start3A_29 = arith.constant 0 : i32
    %dma_start3A_30 = arith.constant 0 : i32
    %dma_start3A_31 = tpu.memref_slice %arg2[%dma_start3A_29, %dma_start3A_30] : memref<100000x128xf32, #tpu.memory_space<hbm>> -> memref<100000x128xf32, #tpu.memory_space<hbm>>
    %dma_start3A_32 = tpu.memref_slice %arg10[%dma_start3A_22] : memref<7x!tpu.dma_semaphore, #tpu.memory_space<semaphore_mem>> -> memref<1x!tpu.dma_semaphore, #tpu.memory_space<semaphore_mem>>
    %dma_start3A_33 = tpu.memref_squeeze %dma_start3A_32 : memref<1x!tpu.dma_semaphore, #tpu.memory_space<semaphore_mem>> -> memref<!tpu.dma_semaphore, #tpu.memory_space<semaphore_mem>>
    tpu.enqueue_indirect_dma source(%dma_start3A_31 : memref<100000x128xf32, #tpu.memory_space<hbm>>) target(%dma_start3A_26 : memref<128x128xf32, #tpu.memory_space<vmem>>) offsets(%dma_start3A_28 : memref<128xi32, #tpu.memory_space<vmem>>) semaphore(%dma_start3A_33 : memref<!tpu.dma_semaphore, #tpu.memory_space<semaphore_mem>>)
    %dma_start3A_34 = arith.constant 1 : i32
    %dma_start3A_35 = arith.constant 1 : i32
    %dma_start3A_36 = arith.constant 0 : i32
    %dma_start3A_37 = arith.constant 0 : i32
    %dma_start3A_38 = tpu.memref_slice %arg9[%dma_start3A_34, %dma_start3A_36, %dma_start3A_37] : memref<7x128x128xf32, #tpu.memory_space<vmem>> -> memref<1x128x128xf32, #tpu.memory_space<vmem>>
    %dma_start3A_39 = tpu.memref_squeeze %dma_start3A_38 : memref<1x128x128xf32, #tpu.memory_space<vmem>> -> memref<128x128xf32, #tpu.memory_space<vmem>>
    %dma_start3A_40 = arith.constant 128 : i32
    %dma_start3A_41 = tpu.memref_slice %arg7[%dma_start3A_40] : memref<512xi32, #tpu.memory_space<vmem>> -> memref<128xi32, #tpu.memory_space<vmem>>
    %dma_start3A_42 = arith.constant 0 : i32
    %dma_start3A_43 = arith.constant 0 : i32
    %dma_start3A_44 = tpu.memref_slice %arg2[%dma_start3A_42, %dma_start3A_43] : memref<100000x128xf32, #tpu.memory_space<hbm>> -> memref<100000x128xf32, #tpu.memory_space<hbm>>
    %dma_start3A_45 = tpu.memref_slice %arg10[%dma_start3A_35] : memref<7x!tpu.dma_semaphore, #tpu.memory_space<semaphore_mem>> -> memref<1x!tpu.dma_semaphore, #tpu.memory_space<semaphore_mem>>
    %dma_start3A_46 = tpu.memref_squeeze %dma_start3A_45 : memref<1x!tpu.dma_semaphore, #tpu.memory_space<semaphore_mem>> -> memref<!tpu.dma_semaphore, #tpu.memory_space<semaphore_mem>>
    tpu.enqueue_indirect_dma source(%dma_start3A_44 : memref<100000x128xf32, #tpu.memory_space<hbm>>) target(%dma_start3A_39 : memref<128x128xf32, #tpu.memory_space<vmem>>) offsets(%dma_start3A_41 : memref<128xi32, #tpu.memory_space<vmem>>) semaphore(%dma_start3A_46 : memref<!tpu.dma_semaphore, #tpu.memory_space<semaphore_mem>>)
    %dma_start3A_47 = arith.constant 2 : i32
    %dma_start3A_48 = arith.constant 2 : i32
    %dma_start3A_49 = arith.constant 0 : i32
    %dma_start3A_50 = arith.constant 0 : i32
    %dma_start3A_51 = tpu.memref_slice %arg9[%dma_start3A_47, %dma_start3A_49, %dma_start3A_50] : memref<7x128x128xf32, #tpu.memory_space<vmem>> -> memref<1x128x128xf32, #tpu.memory_space<vmem>>
    %dma_start3A_52 = tpu.memref_squeeze %dma_start3A_51 : memref<1x128x128xf32, #tpu.memory_space<vmem>> -> memref<128x128xf32, #tpu.memory_space<vmem>>
    %dma_start3A_53 = arith.constant 256 : i32
    %dma_start3A_54 = tpu.memref_slice %arg7[%dma_start3A_53] : memref<512xi32, #tpu.memory_space<vmem>> -> memref<128xi32, #tpu.memory_space<vmem>>
    %dma_start3A_55 = arith.constant 0 : i32
    %dma_start3A_56 = arith.constant 0 : i32
    %dma_start3A_57 = tpu.memref_slice %arg2[%dma_start3A_55, %dma_start3A_56] : memref<100000x128xf32, #tpu.memory_space<hbm>> -> memref<100000x128xf32, #tpu.memory_space<hbm>>
    %dma_start3A_58 = tpu.memref_slice %arg10[%dma_start3A_48] : memref<7x!tpu.dma_semaphore, #tpu.memory_space<semaphore_mem>> -> memref<1x!tpu.dma_semaphore, #tpu.memory_space<semaphore_mem>>
    %dma_start3A_59 = tpu.memref_squeeze %dma_start3A_58 : memref<1x!tpu.dma_semaphore, #tpu.memory_space<semaphore_mem>> -> memref<!tpu.dma_semaphore, #tpu.memory_space<semaphore_mem>>
    tpu.enqueue_indirect_dma source(%dma_start3A_57 : memref<100000x128xf32, #tpu.memory_space<hbm>>) target(%dma_start3A_52 : memref<128x128xf32, #tpu.memory_space<vmem>>) offsets(%dma_start3A_54 : memref<128xi32, #tpu.memory_space<vmem>>) semaphore(%dma_start3A_59 : memref<!tpu.dma_semaphore, #tpu.memory_space<semaphore_mem>>)
    %dma_start3A_60 = arith.constant 3 : i32
    %dma_start3A_61 = arith.constant 3 : i32
    %dma_start3A_62 = arith.constant 0 : i32
    %dma_start3A_63 = arith.constant 0 : i32
    %dma_start3A_64 = tpu.memref_slice %arg9[%dma_start3A_60, %dma_start3A_62, %dma_start3A_63] : memref<7x128x128xf32, #tpu.memory_space<vmem>> -> memref<1x128x128xf32, #tpu.memory_space<vmem>>
    %dma_start3A_65 = tpu.memref_squeeze %dma_start3A_64 : memref<1x128x128xf32, #tpu.memory_space<vmem>> -> memref<128x128xf32, #tpu.memory_space<vmem>>
    %dma_start3A_66 = arith.constant 384 : i32
    %dma_start3A_67 = tpu.memref_slice %arg7[%dma_start3A_66] : memref<512xi32, #tpu.memory_space<vmem>> -> memref<128xi32, #tpu.memory_space<vmem>>
    %dma_start3A_68 = arith.constant 0 : i32
    %dma_start3A_69 = arith.constant 0 : i32
    %dma_start3A_70 = tpu.memref_slice %arg2[%dma_start3A_68, %dma_start3A_69] : memref<100000x128xf32, #tpu.memory_space<hbm>> -> memref<100000x128xf32, #tpu.memory_space<hbm>>
    %dma_start3A_71 = tpu.memref_slice %arg10[%dma_start3A_61] : memref<7x!tpu.dma_semaphore, #tpu.memory_space<semaphore_mem>> -> memref<1x!tpu.dma_semaphore, #tpu.memory_space<semaphore_mem>>
    %dma_start3A_72 = tpu.memref_squeeze %dma_start3A_71 : memref<1x!tpu.dma_semaphore, #tpu.memory_space<semaphore_mem>> -> memref<!tpu.dma_semaphore, #tpu.memory_space<semaphore_mem>>
    tpu.enqueue_indirect_dma source(%dma_start3A_70 : memref<100000x128xf32, #tpu.memory_space<hbm>>) target(%dma_start3A_65 : memref<128x128xf32, #tpu.memory_space<vmem>>) offsets(%dma_start3A_67 : memref<128xi32, #tpu.memory_space<vmem>>) semaphore(%dma_start3A_72 : memref<!tpu.dma_semaphore, #tpu.memory_space<semaphore_mem>>)
    %dma_start3A_73 = arith.constant 4 : i32
    %dma_start3A_74 = arith.constant 4 : i32
    %dma_start3A_75 = arith.constant 0 : i32
    %dma_start3A_76 = arith.constant 0 : i32
    %dma_start3A_77 = tpu.memref_slice %arg9[%dma_start3A_73, %dma_start3A_75, %dma_start3A_76] : memref<7x128x128xf32, #tpu.memory_space<vmem>> -> memref<1x128x128xf32, #tpu.memory_space<vmem>>
    %dma_start3A_78 = tpu.memref_squeeze %dma_start3A_77 : memref<1x128x128xf32, #tpu.memory_space<vmem>> -> memref<128x128xf32, #tpu.memory_space<vmem>>
    %dma_start3A_79 = arith.constant 0 : i32
    %dma_start3A_80 = tpu.memref_slice %arg8[%dma_start3A_79] : memref<512xi32, #tpu.memory_space<vmem>> -> memref<128xi32, #tpu.memory_space<vmem>>
    %dma_start3A_81 = arith.constant 0 : i32
    %dma_start3A_82 = arith.constant 0 : i32
    %dma_start3A_83 = tpu.memref_slice %arg3[%dma_start3A_81, %dma_start3A_82] : memref<100000x128xf32, #tpu.memory_space<hbm>> -> memref<100000x128xf32, #tpu.memory_space<hbm>>
    %dma_start3A_84 = tpu.memref_slice %arg10[%dma_start3A_74] : memref<7x!tpu.dma_semaphore, #tpu.memory_space<semaphore_mem>> -> memref<1x!tpu.dma_semaphore, #tpu.memory_space<semaphore_mem>>
    %dma_start3A_85 = tpu.memref_squeeze %dma_start3A_84 : memref<1x!tpu.dma_semaphore, #tpu.memory_space<semaphore_mem>> -> memref<!tpu.dma_semaphore, #tpu.memory_space<semaphore_mem>>
    tpu.enqueue_indirect_dma source(%dma_start3A_83 : memref<100000x128xf32, #tpu.memory_space<hbm>>) target(%dma_start3A_78 : memref<128x128xf32, #tpu.memory_space<vmem>>) offsets(%dma_start3A_80 : memref<128xi32, #tpu.memory_space<vmem>>) semaphore(%dma_start3A_85 : memref<!tpu.dma_semaphore, #tpu.memory_space<semaphore_mem>>)
    %dma_start3A_86 = arith.constant 5 : i32
    %dma_start3A_87 = arith.constant 5 : i32
    %dma_start3A_88 = arith.constant 0 : i32
    %dma_start3A_89 = arith.constant 0 : i32
    %dma_start3A_90 = tpu.memref_slice %arg9[%dma_start3A_86, %dma_start3A_88, %dma_start3A_89] : memref<7x128x128xf32, #tpu.memory_space<vmem>> -> memref<1x128x128xf32, #tpu.memory_space<vmem>>
    %dma_start3A_91 = tpu.memref_squeeze %dma_start3A_90 : memref<1x128x128xf32, #tpu.memory_space<vmem>> -> memref<128x128xf32, #tpu.memory_space<vmem>>
    %dma_start3A_92 = arith.constant 128 : i32
    %dma_start3A_93 = tpu.memref_slice %arg8[%dma_start3A_92] : memref<512xi32, #tpu.memory_space<vmem>> -> memref<128xi32, #tpu.memory_space<vmem>>
    %dma_start3A_94 = arith.constant 0 : i32
    %dma_start3A_95 = arith.constant 0 : i32
    %dma_start3A_96 = tpu.memref_slice %arg3[%dma_start3A_94, %dma_start3A_95] : memref<100000x128xf32, #tpu.memory_space<hbm>> -> memref<100000x128xf32, #tpu.memory_space<hbm>>
    %dma_start3A_97 = tpu.memref_slice %arg10[%dma_start3A_87] : memref<7x!tpu.dma_semaphore, #tpu.memory_space<semaphore_mem>> -> memref<1x!tpu.dma_semaphore, #tpu.memory_space<semaphore_mem>>
    %dma_start3A_98 = tpu.memref_squeeze %dma_start3A_97 : memref<1x!tpu.dma_semaphore, #tpu.memory_space<semaphore_mem>> -> memref<!tpu.dma_semaphore, #tpu.memory_space<semaphore_mem>>
    tpu.enqueue_indirect_dma source(%dma_start3A_96 : memref<100000x128xf32, #tpu.memory_space<hbm>>) target(%dma_start3A_91 : memref<128x128xf32, #tpu.memory_space<vmem>>) offsets(%dma_start3A_93 : memref<128xi32, #tpu.memory_space<vmem>>) semaphore(%dma_start3A_98 : memref<!tpu.dma_semaphore, #tpu.memory_space<semaphore_mem>>)
    %dma_start3A_99 = arith.constant 6 : i32
    %dma_start3A_100 = arith.constant 6 : i32
    %dma_start3A_101 = arith.constant 0 : i32
    %dma_start3A_102 = arith.constant 0 : i32
    %dma_start3A_103 = tpu.memref_slice %arg9[%dma_start3A_99, %dma_start3A_101, %dma_start3A_102] : memref<7x128x128xf32, #tpu.memory_space<vmem>> -> memref<1x128x128xf32, #tpu.memory_space<vmem>>
    %dma_start3A_104 = tpu.memref_squeeze %dma_start3A_103 : memref<1x128x128xf32, #tpu.memory_space<vmem>> -> memref<128x128xf32, #tpu.memory_space<vmem>>
    %dma_start3A_105 = arith.constant 256 : i32
    %dma_start3A_106 = tpu.memref_slice %arg8[%dma_start3A_105] : memref<512xi32, #tpu.memory_space<vmem>> -> memref<128xi32, #tpu.memory_space<vmem>>
    %dma_start3A_107 = arith.constant 0 : i32
    %dma_start3A_108 = arith.constant 0 : i32
    %dma_start3A_109 = tpu.memref_slice %arg3[%dma_start3A_107, %dma_start3A_108] : memref<100000x128xf32, #tpu.memory_space<hbm>> -> memref<100000x128xf32, #tpu.memory_space<hbm>>
    %dma_start3A_110 = tpu.memref_slice %arg10[%dma_start3A_100] : memref<7x!tpu.dma_semaphore, #tpu.memory_space<semaphore_mem>> -> memref<1x!tpu.dma_semaphore, #tpu.memory_space<semaphore_mem>>
    %dma_start3A_111 = tpu.memref_squeeze %dma_start3A_110 : memref<1x!tpu.dma_semaphore, #tpu.memory_space<semaphore_mem>> -> memref<!tpu.dma_semaphore, #tpu.memory_space<semaphore_mem>>
    tpu.enqueue_indirect_dma source(%dma_start3A_109 : memref<100000x128xf32, #tpu.memory_space<hbm>>) target(%dma_start3A_104 : memref<128x128xf32, #tpu.memory_space<vmem>>) offsets(%dma_start3A_106 : memref<128xi32, #tpu.memory_space<vmem>>) semaphore(%dma_start3A_111 : memref<!tpu.dma_semaphore, #tpu.memory_space<semaphore_mem>>)
    %dma_wait3A_112 = arith.constant 0 : i32
    %dma_wait3A_113 = arith.constant 0 : i32
    %dma_wait3A_114 = arith.constant 0 : i32
    %dma_wait3A_115 = arith.constant 0 : i32
    %dma_wait3A_116 = tpu.memref_slice %arg9[%dma_wait3A_112, %dma_wait3A_114, %dma_wait3A_115] : memref<7x128x128xf32, #tpu.memory_space<vmem>> -> memref<1x128x128xf32, #tpu.memory_space<vmem>>
    %dma_wait3A_117 = tpu.memref_squeeze %dma_wait3A_116 : memref<1x128x128xf32, #tpu.memory_space<vmem>> -> memref<128x128xf32, #tpu.memory_space<vmem>>
    %dma_wait3A_118 = arith.constant 0 : i32
    %dma_wait3A_119 = tpu.memref_slice %arg7[%dma_wait3A_118] : memref<512xi32, #tpu.memory_space<vmem>> -> memref<128xi32, #tpu.memory_space<vmem>>
    %dma_wait3A_120 = arith.constant 0 : i32
    %dma_wait3A_121 = arith.constant 0 : i32
    %dma_wait3A_122 = tpu.memref_slice %arg2[%dma_wait3A_120, %dma_wait3A_121] : memref<100000x128xf32, #tpu.memory_space<hbm>> -> memref<100000x128xf32, #tpu.memory_space<hbm>>
    %dma_wait3A_123 = tpu.memref_slice %arg10[%dma_wait3A_113] : memref<7x!tpu.dma_semaphore, #tpu.memory_space<semaphore_mem>> -> memref<1x!tpu.dma_semaphore, #tpu.memory_space<semaphore_mem>>
    %dma_wait3A_124 = tpu.memref_squeeze %dma_wait3A_123 : memref<1x!tpu.dma_semaphore, #tpu.memory_space<semaphore_mem>> -> memref<!tpu.dma_semaphore, #tpu.memory_space<semaphore_mem>>
    tpu.wait_indirect_dma semaphore(%dma_wait3A_124 : memref<!tpu.dma_semaphore, #tpu.memory_space<semaphore_mem>>) src(%dma_wait3A_122 : memref<100000x128xf32, #tpu.memory_space<hbm>>) dst(%dma_wait3A_117 : memref<128x128xf32, #tpu.memory_space<vmem>>)
    %add3A_125 = arith.constant 0 : i32
    %add3A_126 = arith.addi %mul3A_2, %add3A_125 : i32
    %dma_start3A_127 = arith.constant 0 : i32
    %dma_start3A_128 = arith.constant 0 : i32
    %dma_start3A_129 = arith.constant 0 : i32
    %dma_start3A_130 = arith.constant 0 : i32
    %dma_start3A_131 = tpu.memref_slice %arg9[%dma_start3A_127, %dma_start3A_129, %dma_start3A_130] : memref<7x128x128xf32, #tpu.memory_space<vmem>> -> memref<1x128x128xf32, #tpu.memory_space<vmem>>
    %dma_start3A_132 = tpu.memref_squeeze %dma_start3A_131 : memref<1x128x128xf32, #tpu.memory_space<vmem>> -> memref<128x128xf32, #tpu.memory_space<vmem>>
    %dma_start3A_133 = arith.constant 0 : i32
    %dma_start3A_134 = tpu.memref_slice %arg6[%add3A_126, %dma_start3A_133] : memref<16384x256xf32, #tpu.memory_space<hbm>> -> memref<128x128xf32, #tpu.memory_space<hbm>>
    %dma_start3A_135 = tpu.memref_slice %arg11[%dma_start3A_128] : memref<7x!tpu.dma_semaphore, #tpu.memory_space<semaphore_mem>> -> memref<1x!tpu.dma_semaphore, #tpu.memory_space<semaphore_mem>>
    %dma_start3A_136 = tpu.memref_squeeze %dma_start3A_135 : memref<1x!tpu.dma_semaphore, #tpu.memory_space<semaphore_mem>> -> memref<!tpu.dma_semaphore, #tpu.memory_space<semaphore_mem>>
    %dma_start3A_137 = arith.constant 0 : i32
    %dma_start3A_138 = tpu.memref_slice %arg6[%add3A_126, %dma_start3A_137] : memref<16384x256xf32, #tpu.memory_space<hbm>> -> memref<128x128xf32, #tpu.memory_space<hbm>>
    %dma_start3A_139 = arith.constant 0 : i32
    %dma_start3A_140 = arith.constant 0 : i32
    %dma_start3A_141 = tpu.memref_slice %arg9[%dma_start3A_127, %dma_start3A_139, %dma_start3A_140] : memref<7x128x128xf32, #tpu.memory_space<vmem>> -> memref<1x128x128xf32, #tpu.memory_space<vmem>>
    %dma_start3A_142 = tpu.memref_squeeze %dma_start3A_141 : memref<1x128x128xf32, #tpu.memory_space<vmem>> -> memref<128x128xf32, #tpu.memory_space<vmem>>
    tpu.enqueue_dma source(%dma_start3A_142 : memref<128x128xf32, #tpu.memory_space<vmem>>) target(%dma_start3A_138 : memref<128x128xf32, #tpu.memory_space<hbm>>) target_semaphore(%dma_start3A_136 : memref<!tpu.dma_semaphore, #tpu.memory_space<semaphore_mem>>)
    %dma_wait3A_143 = arith.constant 0 : i32
    %dma_wait3A_144 = arith.constant 0 : i32
    %dma_wait3A_145 = arith.constant 0 : i32
    %dma_wait3A_146 = arith.constant 0 : i32
    %dma_wait3A_147 = tpu.memref_slice %arg9[%dma_wait3A_143, %dma_wait3A_145, %dma_wait3A_146] : memref<7x128x128xf32, #tpu.memory_space<vmem>> -> memref<1x128x128xf32, #tpu.memory_space<vmem>>
    %dma_wait3A_148 = tpu.memref_squeeze %dma_wait3A_147 : memref<1x128x128xf32, #tpu.memory_space<vmem>> -> memref<128x128xf32, #tpu.memory_space<vmem>>
    %dma_wait3A_149 = arith.constant 0 : i32
    %dma_wait3A_150 = tpu.memref_slice %arg6[%add3A_126, %dma_wait3A_149] : memref<16384x256xf32, #tpu.memory_space<hbm>> -> memref<128x128xf32, #tpu.memory_space<hbm>>
    %dma_wait3A_151 = tpu.memref_slice %arg11[%dma_wait3A_144] : memref<7x!tpu.dma_semaphore, #tpu.memory_space<semaphore_mem>> -> memref<1x!tpu.dma_semaphore, #tpu.memory_space<semaphore_mem>>
    %dma_wait3A_152 = tpu.memref_squeeze %dma_wait3A_151 : memref<1x!tpu.dma_semaphore, #tpu.memory_space<semaphore_mem>> -> memref<!tpu.dma_semaphore, #tpu.memory_space<semaphore_mem>>
    %dma_wait3A_153 = arith.constant 0 : i32
    %dma_wait3A_154 = tpu.memref_slice %arg6[%add3A_126, %dma_wait3A_153] : memref<16384x256xf32, #tpu.memory_space<hbm>> -> memref<128x128xf32, #tpu.memory_space<hbm>>
    %dma_wait3A_155 = arith.constant 0 : i32
    %dma_wait3A_156 = arith.constant 0 : i32
    %dma_wait3A_157 = tpu.memref_slice %arg9[%dma_wait3A_143, %dma_wait3A_155, %dma_wait3A_156] : memref<7x128x128xf32, #tpu.memory_space<vmem>> -> memref<1x128x128xf32, #tpu.memory_space<vmem>>
    %dma_wait3A_158 = tpu.memref_squeeze %dma_wait3A_157 : memref<1x128x128xf32, #tpu.memory_space<vmem>> -> memref<128x128xf32, #tpu.memory_space<vmem>>
    tpu.wait_dma2 semaphore(%dma_wait3A_152 : memref<!tpu.dma_semaphore, #tpu.memory_space<semaphore_mem>>) src(%dma_wait3A_158 : memref<128x128xf32, #tpu.memory_space<vmem>>) dst(%dma_wait3A_154 : memref<128x128xf32, #tpu.memory_space<hbm>>)
    %dma_start3A_159 = arith.constant 0 : i32
    %dma_start3A_160 = arith.constant 0 : i32
    %dma_start3A_161 = arith.constant 0 : i32
    %dma_start3A_162 = arith.constant 0 : i32
    %dma_start3A_163 = tpu.memref_slice %arg9[%dma_start3A_159, %dma_start3A_161, %dma_start3A_162] : memref<7x128x128xf32, #tpu.memory_space<vmem>> -> memref<1x128x128xf32, #tpu.memory_space<vmem>>
    %dma_start3A_164 = tpu.memref_squeeze %dma_start3A_163 : memref<1x128x128xf32, #tpu.memory_space<vmem>> -> memref<128x128xf32, #tpu.memory_space<vmem>>
    %dma_start3A_165 = arith.constant 384 : i32
    %dma_start3A_166 = tpu.memref_slice %arg8[%dma_start3A_165] : memref<512xi32, #tpu.memory_space<vmem>> -> memref<128xi32, #tpu.memory_space<vmem>>
    %dma_start3A_167 = arith.constant 0 : i32
    %dma_start3A_168 = arith.constant 0 : i32
    %dma_start3A_169 = tpu.memref_slice %arg3[%dma_start3A_167, %dma_start3A_168] : memref<100000x128xf32, #tpu.memory_space<hbm>> -> memref<100000x128xf32, #tpu.memory_space<hbm>>
    %dma_start3A_170 = tpu.memref_slice %arg10[%dma_start3A_160] : memref<7x!tpu.dma_semaphore, #tpu.memory_space<semaphore_mem>> -> memref<1x!tpu.dma_semaphore, #tpu.memory_space<semaphore_mem>>
    %dma_start3A_171 = tpu.memref_squeeze %dma_start3A_170 : memref<1x!tpu.dma_semaphore, #tpu.memory_space<semaphore_mem>> -> memref<!tpu.dma_semaphore, #tpu.memory_space<semaphore_mem>>
    tpu.enqueue_indirect_dma source(%dma_start3A_169 : memref<100000x128xf32, #tpu.memory_space<hbm>>) target(%dma_start3A_164 : memref<128x128xf32, #tpu.memory_space<vmem>>) offsets(%dma_start3A_166 : memref<128xi32, #tpu.memory_space<vmem>>) semaphore(%dma_start3A_171 : memref<!tpu.dma_semaphore, #tpu.memory_space<semaphore_mem>>)
    %dma_wait3A_172 = arith.constant 1 : i32
    %dma_wait3A_173 = arith.constant 1 : i32
    %dma_wait3A_174 = arith.constant 0 : i32
    %dma_wait3A_175 = arith.constant 0 : i32
    %dma_wait3A_176 = tpu.memref_slice %arg9[%dma_wait3A_172, %dma_wait3A_174, %dma_wait3A_175] : memref<7x128x128xf32, #tpu.memory_space<vmem>> -> memref<1x128x128xf32, #tpu.memory_space<vmem>>
    %dma_wait3A_177 = tpu.memref_squeeze %dma_wait3A_176 : memref<1x128x128xf32, #tpu.memory_space<vmem>> -> memref<128x128xf32, #tpu.memory_space<vmem>>
    %dma_wait3A_178 = arith.constant 128 : i32
    %dma_wait3A_179 = tpu.memref_slice %arg7[%dma_wait3A_178] : memref<512xi32, #tpu.memory_space<vmem>> -> memref<128xi32, #tpu.memory_space<vmem>>
    %dma_wait3A_180 = arith.constant 0 : i32
    %dma_wait3A_181 = arith.constant 0 : i32
    %dma_wait3A_182 = tpu.memref_slice %arg2[%dma_wait3A_180, %dma_wait3A_181] : memref<100000x128xf32, #tpu.memory_space<hbm>> -> memref<100000x128xf32, #tpu.memory_space<hbm>>
    %dma_wait3A_183 = tpu.memref_slice %arg10[%dma_wait3A_173] : memref<7x!tpu.dma_semaphore, #tpu.memory_space<semaphore_mem>> -> memref<1x!tpu.dma_semaphore, #tpu.memory_space<semaphore_mem>>
    %dma_wait3A_184 = tpu.memref_squeeze %dma_wait3A_183 : memref<1x!tpu.dma_semaphore, #tpu.memory_space<semaphore_mem>> -> memref<!tpu.dma_semaphore, #tpu.memory_space<semaphore_mem>>
    tpu.wait_indirect_dma semaphore(%dma_wait3A_184 : memref<!tpu.dma_semaphore, #tpu.memory_space<semaphore_mem>>) src(%dma_wait3A_182 : memref<100000x128xf32, #tpu.memory_space<hbm>>) dst(%dma_wait3A_177 : memref<128x128xf32, #tpu.memory_space<vmem>>)
    %add3A_185 = arith.constant 128 : i32
    %add3A_186 = arith.addi %mul3A_2, %add3A_185 : i32
    %dma_start3A_187 = arith.constant 1 : i32
    %dma_start3A_188 = arith.constant 1 : i32
    %dma_start3A_189 = arith.constant 0 : i32
    %dma_start3A_190 = arith.constant 0 : i32
    %dma_start3A_191 = tpu.memref_slice %arg9[%dma_start3A_187, %dma_start3A_189, %dma_start3A_190] : memref<7x128x128xf32, #tpu.memory_space<vmem>> -> memref<1x128x128xf32, #tpu.memory_space<vmem>>
    %dma_start3A_192 = tpu.memref_squeeze %dma_start3A_191 : memref<1x128x128xf32, #tpu.memory_space<vmem>> -> memref<128x128xf32, #tpu.memory_space<vmem>>
    %dma_start3A_193 = arith.constant 0 : i32
    %dma_start3A_194 = tpu.memref_slice %arg6[%add3A_186, %dma_start3A_193] : memref<16384x256xf32, #tpu.memory_space<hbm>> -> memref<128x128xf32, #tpu.memory_space<hbm>>
    %dma_start3A_195 = tpu.memref_slice %arg11[%dma_start3A_188] : memref<7x!tpu.dma_semaphore, #tpu.memory_space<semaphore_mem>> -> memref<1x!tpu.dma_semaphore, #tpu.memory_space<semaphore_mem>>
    %dma_start3A_196 = tpu.memref_squeeze %dma_start3A_195 : memref<1x!tpu.dma_semaphore, #tpu.memory_space<semaphore_mem>> -> memref<!tpu.dma_semaphore, #tpu.memory_space<semaphore_mem>>
    %dma_start3A_197 = arith.constant 0 : i32
    %dma_start3A_198 = tpu.memref_slice %arg6[%add3A_186, %dma_start3A_197] : memref<16384x256xf32, #tpu.memory_space<hbm>> -> memref<128x128xf32, #tpu.memory_space<hbm>>
    %dma_start3A_199 = arith.constant 0 : i32
    %dma_start3A_200 = arith.constant 0 : i32
    %dma_start3A_201 = tpu.memref_slice %arg9[%dma_start3A_187, %dma_start3A_199, %dma_start3A_200] : memref<7x128x128xf32, #tpu.memory_space<vmem>> -> memref<1x128x128xf32, #tpu.memory_space<vmem>>
    %dma_start3A_202 = tpu.memref_squeeze %dma_start3A_201 : memref<1x128x128xf32, #tpu.memory_space<vmem>> -> memref<128x128xf32, #tpu.memory_space<vmem>>
    tpu.enqueue_dma source(%dma_start3A_202 : memref<128x128xf32, #tpu.memory_space<vmem>>) target(%dma_start3A_198 : memref<128x128xf32, #tpu.memory_space<hbm>>) target_semaphore(%dma_start3A_196 : memref<!tpu.dma_semaphore, #tpu.memory_space<semaphore_mem>>)
    %dma_wait3A_203 = arith.constant 2 : i32
    %dma_wait3A_204 = arith.constant 2 : i32
    %dma_wait3A_205 = arith.constant 0 : i32
    %dma_wait3A_206 = arith.constant 0 : i32
    %dma_wait3A_207 = tpu.memref_slice %arg9[%dma_wait3A_203, %dma_wait3A_205, %dma_wait3A_206] : memref<7x128x128xf32, #tpu.memory_space<vmem>> -> memref<1x128x128xf32, #tpu.memory_space<vmem>>
    %dma_wait3A_208 = tpu.memref_squeeze %dma_wait3A_207 : memref<1x128x128xf32, #tpu.memory_space<vmem>> -> memref<128x128xf32, #tpu.memory_space<vmem>>
    %dma_wait3A_209 = arith.constant 256 : i32
    %dma_wait3A_210 = tpu.memref_slice %arg7[%dma_wait3A_209] : memref<512xi32, #tpu.memory_space<vmem>> -> memref<128xi32, #tpu.memory_space<vmem>>
    %dma_wait3A_211 = arith.constant 0 : i32
    %dma_wait3A_212 = arith.constant 0 : i32
    %dma_wait3A_213 = tpu.memref_slice %arg2[%dma_wait3A_211, %dma_wait3A_212] : memref<100000x128xf32, #tpu.memory_space<hbm>> -> memref<100000x128xf32, #tpu.memory_space<hbm>>
    %dma_wait3A_214 = tpu.memref_slice %arg10[%dma_wait3A_204] : memref<7x!tpu.dma_semaphore, #tpu.memory_space<semaphore_mem>> -> memref<1x!tpu.dma_semaphore, #tpu.memory_space<semaphore_mem>>
    %dma_wait3A_215 = tpu.memref_squeeze %dma_wait3A_214 : memref<1x!tpu.dma_semaphore, #tpu.memory_space<semaphore_mem>> -> memref<!tpu.dma_semaphore, #tpu.memory_space<semaphore_mem>>
    tpu.wait_indirect_dma semaphore(%dma_wait3A_215 : memref<!tpu.dma_semaphore, #tpu.memory_space<semaphore_mem>>) src(%dma_wait3A_213 : memref<100000x128xf32, #tpu.memory_space<hbm>>) dst(%dma_wait3A_208 : memref<128x128xf32, #tpu.memory_space<vmem>>)
    %add3A_216 = arith.constant 256 : i32
    %add3A_217 = arith.addi %mul3A_2, %add3A_216 : i32
    %dma_start3A_218 = arith.constant 2 : i32
    %dma_start3A_219 = arith.constant 2 : i32
    %dma_start3A_220 = arith.constant 0 : i32
    %dma_start3A_221 = arith.constant 0 : i32
    %dma_start3A_222 = tpu.memref_slice %arg9[%dma_start3A_218, %dma_start3A_220, %dma_start3A_221] : memref<7x128x128xf32, #tpu.memory_space<vmem>> -> memref<1x128x128xf32, #tpu.memory_space<vmem>>
    %dma_start3A_223 = tpu.memref_squeeze %dma_start3A_222 : memref<1x128x128xf32, #tpu.memory_space<vmem>> -> memref<128x128xf32, #tpu.memory_space<vmem>>
    %dma_start3A_224 = arith.constant 0 : i32
    %dma_start3A_225 = tpu.memref_slice %arg6[%add3A_217, %dma_start3A_224] : memref<16384x256xf32, #tpu.memory_space<hbm>> -> memref<128x128xf32, #tpu.memory_space<hbm>>
    %dma_start3A_226 = tpu.memref_slice %arg11[%dma_start3A_219] : memref<7x!tpu.dma_semaphore, #tpu.memory_space<semaphore_mem>> -> memref<1x!tpu.dma_semaphore, #tpu.memory_space<semaphore_mem>>
    %dma_start3A_227 = tpu.memref_squeeze %dma_start3A_226 : memref<1x!tpu.dma_semaphore, #tpu.memory_space<semaphore_mem>> -> memref<!tpu.dma_semaphore, #tpu.memory_space<semaphore_mem>>
    %dma_start3A_228 = arith.constant 0 : i32
    %dma_start3A_229 = tpu.memref_slice %arg6[%add3A_217, %dma_start3A_228] : memref<16384x256xf32, #tpu.memory_space<hbm>> -> memref<128x128xf32, #tpu.memory_space<hbm>>
    %dma_start3A_230 = arith.constant 0 : i32
    %dma_start3A_231 = arith.constant 0 : i32
    %dma_start3A_232 = tpu.memref_slice %arg9[%dma_start3A_218, %dma_start3A_230, %dma_start3A_231] : memref<7x128x128xf32, #tpu.memory_space<vmem>> -> memref<1x128x128xf32, #tpu.memory_space<vmem>>
    %dma_start3A_233 = tpu.memref_squeeze %dma_start3A_232 : memref<1x128x128xf32, #tpu.memory_space<vmem>> -> memref<128x128xf32, #tpu.memory_space<vmem>>
    tpu.enqueue_dma source(%dma_start3A_233 : memref<128x128xf32, #tpu.memory_space<vmem>>) target(%dma_start3A_229 : memref<128x128xf32, #tpu.memory_space<hbm>>) target_semaphore(%dma_start3A_227 : memref<!tpu.dma_semaphore, #tpu.memory_space<semaphore_mem>>)
    %dma_wait3A_234 = arith.constant 3 : i32
    %dma_wait3A_235 = arith.constant 3 : i32
    %dma_wait3A_236 = arith.constant 0 : i32
    %dma_wait3A_237 = arith.constant 0 : i32
    %dma_wait3A_238 = tpu.memref_slice %arg9[%dma_wait3A_234, %dma_wait3A_236, %dma_wait3A_237] : memref<7x128x128xf32, #tpu.memory_space<vmem>> -> memref<1x128x128xf32, #tpu.memory_space<vmem>>
    %dma_wait3A_239 = tpu.memref_squeeze %dma_wait3A_238 : memref<1x128x128xf32, #tpu.memory_space<vmem>> -> memref<128x128xf32, #tpu.memory_space<vmem>>
    %dma_wait3A_240 = arith.constant 384 : i32
    %dma_wait3A_241 = tpu.memref_slice %arg7[%dma_wait3A_240] : memref<512xi32, #tpu.memory_space<vmem>> -> memref<128xi32, #tpu.memory_space<vmem>>
    %dma_wait3A_242 = arith.constant 0 : i32
    %dma_wait3A_243 = arith.constant 0 : i32
    %dma_wait3A_244 = tpu.memref_slice %arg2[%dma_wait3A_242, %dma_wait3A_243] : memref<100000x128xf32, #tpu.memory_space<hbm>> -> memref<100000x128xf32, #tpu.memory_space<hbm>>
    %dma_wait3A_245 = tpu.memref_slice %arg10[%dma_wait3A_235] : memref<7x!tpu.dma_semaphore, #tpu.memory_space<semaphore_mem>> -> memref<1x!tpu.dma_semaphore, #tpu.memory_space<semaphore_mem>>
    %dma_wait3A_246 = tpu.memref_squeeze %dma_wait3A_245 : memref<1x!tpu.dma_semaphore, #tpu.memory_space<semaphore_mem>> -> memref<!tpu.dma_semaphore, #tpu.memory_space<semaphore_mem>>
    tpu.wait_indirect_dma semaphore(%dma_wait3A_246 : memref<!tpu.dma_semaphore, #tpu.memory_space<semaphore_mem>>) src(%dma_wait3A_244 : memref<100000x128xf32, #tpu.memory_space<hbm>>) dst(%dma_wait3A_239 : memref<128x128xf32, #tpu.memory_space<vmem>>)
    %add3A_247 = arith.constant 384 : i32
    %add3A_248 = arith.addi %mul3A_2, %add3A_247 : i32
    %dma_start3A_249 = arith.constant 3 : i32
    %dma_start3A_250 = arith.constant 3 : i32
    %dma_start3A_251 = arith.constant 0 : i32
    %dma_start3A_252 = arith.constant 0 : i32
    %dma_start3A_253 = tpu.memref_slice %arg9[%dma_start3A_249, %dma_start3A_251, %dma_start3A_252] : memref<7x128x128xf32, #tpu.memory_space<vmem>> -> memref<1x128x128xf32, #tpu.memory_space<vmem>>
    %dma_start3A_254 = tpu.memref_squeeze %dma_start3A_253 : memref<1x128x128xf32, #tpu.memory_space<vmem>> -> memref<128x128xf32, #tpu.memory_space<vmem>>
    %dma_start3A_255 = arith.constant 0 : i32
    %dma_start3A_256 = tpu.memref_slice %arg6[%add3A_248, %dma_start3A_255] : memref<16384x256xf32, #tpu.memory_space<hbm>> -> memref<128x128xf32, #tpu.memory_space<hbm>>
    %dma_start3A_257 = tpu.memref_slice %arg11[%dma_start3A_250] : memref<7x!tpu.dma_semaphore, #tpu.memory_space<semaphore_mem>> -> memref<1x!tpu.dma_semaphore, #tpu.memory_space<semaphore_mem>>
    %dma_start3A_258 = tpu.memref_squeeze %dma_start3A_257 : memref<1x!tpu.dma_semaphore, #tpu.memory_space<semaphore_mem>> -> memref<!tpu.dma_semaphore, #tpu.memory_space<semaphore_mem>>
    %dma_start3A_259 = arith.constant 0 : i32
    %dma_start3A_260 = tpu.memref_slice %arg6[%add3A_248, %dma_start3A_259] : memref<16384x256xf32, #tpu.memory_space<hbm>> -> memref<128x128xf32, #tpu.memory_space<hbm>>
    %dma_start3A_261 = arith.constant 0 : i32
    %dma_start3A_262 = arith.constant 0 : i32
    %dma_start3A_263 = tpu.memref_slice %arg9[%dma_start3A_249, %dma_start3A_261, %dma_start3A_262] : memref<7x128x128xf32, #tpu.memory_space<vmem>> -> memref<1x128x128xf32, #tpu.memory_space<vmem>>
    %dma_start3A_264 = tpu.memref_squeeze %dma_start3A_263 : memref<1x128x128xf32, #tpu.memory_space<vmem>> -> memref<128x128xf32, #tpu.memory_space<vmem>>
    tpu.enqueue_dma source(%dma_start3A_264 : memref<128x128xf32, #tpu.memory_space<vmem>>) target(%dma_start3A_260 : memref<128x128xf32, #tpu.memory_space<hbm>>) target_semaphore(%dma_start3A_258 : memref<!tpu.dma_semaphore, #tpu.memory_space<semaphore_mem>>)
    %dma_wait3A_265 = arith.constant 4 : i32
    %dma_wait3A_266 = arith.constant 4 : i32
    %dma_wait3A_267 = arith.constant 0 : i32
    %dma_wait3A_268 = arith.constant 0 : i32
    %dma_wait3A_269 = tpu.memref_slice %arg9[%dma_wait3A_265, %dma_wait3A_267, %dma_wait3A_268] : memref<7x128x128xf32, #tpu.memory_space<vmem>> -> memref<1x128x128xf32, #tpu.memory_space<vmem>>
    %dma_wait3A_270 = tpu.memref_squeeze %dma_wait3A_269 : memref<1x128x128xf32, #tpu.memory_space<vmem>> -> memref<128x128xf32, #tpu.memory_space<vmem>>
    %dma_wait3A_271 = arith.constant 0 : i32
    %dma_wait3A_272 = tpu.memref_slice %arg8[%dma_wait3A_271] : memref<512xi32, #tpu.memory_space<vmem>> -> memref<128xi32, #tpu.memory_space<vmem>>
    %dma_wait3A_273 = arith.constant 0 : i32
    %dma_wait3A_274 = arith.constant 0 : i32
    %dma_wait3A_275 = tpu.memref_slice %arg3[%dma_wait3A_273, %dma_wait3A_274] : memref<100000x128xf32, #tpu.memory_space<hbm>> -> memref<100000x128xf32, #tpu.memory_space<hbm>>
    %dma_wait3A_276 = tpu.memref_slice %arg10[%dma_wait3A_266] : memref<7x!tpu.dma_semaphore, #tpu.memory_space<semaphore_mem>> -> memref<1x!tpu.dma_semaphore, #tpu.memory_space<semaphore_mem>>
    %dma_wait3A_277 = tpu.memref_squeeze %dma_wait3A_276 : memref<1x!tpu.dma_semaphore, #tpu.memory_space<semaphore_mem>> -> memref<!tpu.dma_semaphore, #tpu.memory_space<semaphore_mem>>
    tpu.wait_indirect_dma semaphore(%dma_wait3A_277 : memref<!tpu.dma_semaphore, #tpu.memory_space<semaphore_mem>>) src(%dma_wait3A_275 : memref<100000x128xf32, #tpu.memory_space<hbm>>) dst(%dma_wait3A_270 : memref<128x128xf32, #tpu.memory_space<vmem>>)
    %add3A_278 = arith.constant 0 : i32
    %add3A_279 = arith.addi %mul3A_2, %add3A_278 : i32
    %dma_start3A_280 = arith.constant 4 : i32
    %dma_start3A_281 = arith.constant 4 : i32
    %dma_start3A_282 = arith.constant 0 : i32
    %dma_start3A_283 = arith.constant 0 : i32
    %dma_start3A_284 = tpu.memref_slice %arg9[%dma_start3A_280, %dma_start3A_282, %dma_start3A_283] : memref<7x128x128xf32, #tpu.memory_space<vmem>> -> memref<1x128x128xf32, #tpu.memory_space<vmem>>
    %dma_start3A_285 = tpu.memref_squeeze %dma_start3A_284 : memref<1x128x128xf32, #tpu.memory_space<vmem>> -> memref<128x128xf32, #tpu.memory_space<vmem>>
    %dma_start3A_286 = arith.constant 128 : i32
    %dma_start3A_287 = tpu.memref_slice %arg6[%add3A_279, %dma_start3A_286] : memref<16384x256xf32, #tpu.memory_space<hbm>> -> memref<128x128xf32, #tpu.memory_space<hbm>>
    %dma_start3A_288 = tpu.memref_slice %arg11[%dma_start3A_281] : memref<7x!tpu.dma_semaphore, #tpu.memory_space<semaphore_mem>> -> memref<1x!tpu.dma_semaphore, #tpu.memory_space<semaphore_mem>>
    %dma_start3A_289 = tpu.memref_squeeze %dma_start3A_288 : memref<1x!tpu.dma_semaphore, #tpu.memory_space<semaphore_mem>> -> memref<!tpu.dma_semaphore, #tpu.memory_space<semaphore_mem>>
    %dma_start3A_290 = arith.constant 128 : i32
    %dma_start3A_291 = tpu.memref_slice %arg6[%add3A_279, %dma_start3A_290] : memref<16384x256xf32, #tpu.memory_space<hbm>> -> memref<128x128xf32, #tpu.memory_space<hbm>>
    %dma_start3A_292 = arith.constant 0 : i32
    %dma_start3A_293 = arith.constant 0 : i32
    %dma_start3A_294 = tpu.memref_slice %arg9[%dma_start3A_280, %dma_start3A_292, %dma_start3A_293] : memref<7x128x128xf32, #tpu.memory_space<vmem>> -> memref<1x128x128xf32, #tpu.memory_space<vmem>>
    %dma_start3A_295 = tpu.memref_squeeze %dma_start3A_294 : memref<1x128x128xf32, #tpu.memory_space<vmem>> -> memref<128x128xf32, #tpu.memory_space<vmem>>
    tpu.enqueue_dma source(%dma_start3A_295 : memref<128x128xf32, #tpu.memory_space<vmem>>) target(%dma_start3A_291 : memref<128x128xf32, #tpu.memory_space<hbm>>) target_semaphore(%dma_start3A_289 : memref<!tpu.dma_semaphore, #tpu.memory_space<semaphore_mem>>)
    %dma_wait3A_296 = arith.constant 5 : i32
    %dma_wait3A_297 = arith.constant 5 : i32
    %dma_wait3A_298 = arith.constant 0 : i32
    %dma_wait3A_299 = arith.constant 0 : i32
    %dma_wait3A_300 = tpu.memref_slice %arg9[%dma_wait3A_296, %dma_wait3A_298, %dma_wait3A_299] : memref<7x128x128xf32, #tpu.memory_space<vmem>> -> memref<1x128x128xf32, #tpu.memory_space<vmem>>
    %dma_wait3A_301 = tpu.memref_squeeze %dma_wait3A_300 : memref<1x128x128xf32, #tpu.memory_space<vmem>> -> memref<128x128xf32, #tpu.memory_space<vmem>>
    %dma_wait3A_302 = arith.constant 128 : i32
    %dma_wait3A_303 = tpu.memref_slice %arg8[%dma_wait3A_302] : memref<512xi32, #tpu.memory_space<vmem>> -> memref<128xi32, #tpu.memory_space<vmem>>
    %dma_wait3A_304 = arith.constant 0 : i32
    %dma_wait3A_305 = arith.constant 0 : i32
    %dma_wait3A_306 = tpu.memref_slice %arg3[%dma_wait3A_304, %dma_wait3A_305] : memref<100000x128xf32, #tpu.memory_space<hbm>> -> memref<100000x128xf32, #tpu.memory_space<hbm>>
    %dma_wait3A_307 = tpu.memref_slice %arg10[%dma_wait3A_297] : memref<7x!tpu.dma_semaphore, #tpu.memory_space<semaphore_mem>> -> memref<1x!tpu.dma_semaphore, #tpu.memory_space<semaphore_mem>>
    %dma_wait3A_308 = tpu.memref_squeeze %dma_wait3A_307 : memref<1x!tpu.dma_semaphore, #tpu.memory_space<semaphore_mem>> -> memref<!tpu.dma_semaphore, #tpu.memory_space<semaphore_mem>>
    tpu.wait_indirect_dma semaphore(%dma_wait3A_308 : memref<!tpu.dma_semaphore, #tpu.memory_space<semaphore_mem>>) src(%dma_wait3A_306 : memref<100000x128xf32, #tpu.memory_space<hbm>>) dst(%dma_wait3A_301 : memref<128x128xf32, #tpu.memory_space<vmem>>)
    %add3A_309 = arith.constant 128 : i32
    %add3A_310 = arith.addi %mul3A_2, %add3A_309 : i32
    %dma_start3A_311 = arith.constant 5 : i32
    %dma_start3A_312 = arith.constant 5 : i32
    %dma_start3A_313 = arith.constant 0 : i32
    %dma_start3A_314 = arith.constant 0 : i32
    %dma_start3A_315 = tpu.memref_slice %arg9[%dma_start3A_311, %dma_start3A_313, %dma_start3A_314] : memref<7x128x128xf32, #tpu.memory_space<vmem>> -> memref<1x128x128xf32, #tpu.memory_space<vmem>>
    %dma_start3A_316 = tpu.memref_squeeze %dma_start3A_315 : memref<1x128x128xf32, #tpu.memory_space<vmem>> -> memref<128x128xf32, #tpu.memory_space<vmem>>
    %dma_start3A_317 = arith.constant 128 : i32
    %dma_start3A_318 = tpu.memref_slice %arg6[%add3A_310, %dma_start3A_317] : memref<16384x256xf32, #tpu.memory_space<hbm>> -> memref<128x128xf32, #tpu.memory_space<hbm>>
    %dma_start3A_319 = tpu.memref_slice %arg11[%dma_start3A_312] : memref<7x!tpu.dma_semaphore, #tpu.memory_space<semaphore_mem>> -> memref<1x!tpu.dma_semaphore, #tpu.memory_space<semaphore_mem>>
    %dma_start3A_320 = tpu.memref_squeeze %dma_start3A_319 : memref<1x!tpu.dma_semaphore, #tpu.memory_space<semaphore_mem>> -> memref<!tpu.dma_semaphore, #tpu.memory_space<semaphore_mem>>
    %dma_start3A_321 = arith.constant 128 : i32
    %dma_start3A_322 = tpu.memref_slice %arg6[%add3A_310, %dma_start3A_321] : memref<16384x256xf32, #tpu.memory_space<hbm>> -> memref<128x128xf32, #tpu.memory_space<hbm>>
    %dma_start3A_323 = arith.constant 0 : i32
    %dma_start3A_324 = arith.constant 0 : i32
    %dma_start3A_325 = tpu.memref_slice %arg9[%dma_start3A_311, %dma_start3A_323, %dma_start3A_324] : memref<7x128x128xf32, #tpu.memory_space<vmem>> -> memref<1x128x128xf32, #tpu.memory_space<vmem>>
    %dma_start3A_326 = tpu.memref_squeeze %dma_start3A_325 : memref<1x128x128xf32, #tpu.memory_space<vmem>> -> memref<128x128xf32, #tpu.memory_space<vmem>>
    tpu.enqueue_dma source(%dma_start3A_326 : memref<128x128xf32, #tpu.memory_space<vmem>>) target(%dma_start3A_322 : memref<128x128xf32, #tpu.memory_space<hbm>>) target_semaphore(%dma_start3A_320 : memref<!tpu.dma_semaphore, #tpu.memory_space<semaphore_mem>>)
    %dma_wait3A_327 = arith.constant 6 : i32
    %dma_wait3A_328 = arith.constant 6 : i32
    %dma_wait3A_329 = arith.constant 0 : i32
    %dma_wait3A_330 = arith.constant 0 : i32
    %dma_wait3A_331 = tpu.memref_slice %arg9[%dma_wait3A_327, %dma_wait3A_329, %dma_wait3A_330] : memref<7x128x128xf32, #tpu.memory_space<vmem>> -> memref<1x128x128xf32, #tpu.memory_space<vmem>>
    %dma_wait3A_332 = tpu.memref_squeeze %dma_wait3A_331 : memref<1x128x128xf32, #tpu.memory_space<vmem>> -> memref<128x128xf32, #tpu.memory_space<vmem>>
    %dma_wait3A_333 = arith.constant 256 : i32
    %dma_wait3A_334 = tpu.memref_slice %arg8[%dma_wait3A_333] : memref<512xi32, #tpu.memory_space<vmem>> -> memref<128xi32, #tpu.memory_space<vmem>>
    %dma_wait3A_335 = arith.constant 0 : i32
    %dma_wait3A_336 = arith.constant 0 : i32
    %dma_wait3A_337 = tpu.memref_slice %arg3[%dma_wait3A_335, %dma_wait3A_336] : memref<100000x128xf32, #tpu.memory_space<hbm>> -> memref<100000x128xf32, #tpu.memory_space<hbm>>
    %dma_wait3A_338 = tpu.memref_slice %arg10[%dma_wait3A_328] : memref<7x!tpu.dma_semaphore, #tpu.memory_space<semaphore_mem>> -> memref<1x!tpu.dma_semaphore, #tpu.memory_space<semaphore_mem>>
    %dma_wait3A_339 = tpu.memref_squeeze %dma_wait3A_338 : memref<1x!tpu.dma_semaphore, #tpu.memory_space<semaphore_mem>> -> memref<!tpu.dma_semaphore, #tpu.memory_space<semaphore_mem>>
    tpu.wait_indirect_dma semaphore(%dma_wait3A_339 : memref<!tpu.dma_semaphore, #tpu.memory_space<semaphore_mem>>) src(%dma_wait3A_337 : memref<100000x128xf32, #tpu.memory_space<hbm>>) dst(%dma_wait3A_332 : memref<128x128xf32, #tpu.memory_space<vmem>>)
    %add3A_340 = arith.constant 256 : i32
    %add3A_341 = arith.addi %mul3A_2, %add3A_340 : i32
    %dma_start3A_342 = arith.constant 6 : i32
    %dma_start3A_343 = arith.constant 6 : i32
    %dma_start3A_344 = arith.constant 0 : i32
    %dma_start3A_345 = arith.constant 0 : i32
    %dma_start3A_346 = tpu.memref_slice %arg9[%dma_start3A_342, %dma_start3A_344, %dma_start3A_345] : memref<7x128x128xf32, #tpu.memory_space<vmem>> -> memref<1x128x128xf32, #tpu.memory_space<vmem>>
    %dma_start3A_347 = tpu.memref_squeeze %dma_start3A_346 : memref<1x128x128xf32, #tpu.memory_space<vmem>> -> memref<128x128xf32, #tpu.memory_space<vmem>>
    %dma_start3A_348 = arith.constant 128 : i32
    %dma_start3A_349 = tpu.memref_slice %arg6[%add3A_341, %dma_start3A_348] : memref<16384x256xf32, #tpu.memory_space<hbm>> -> memref<128x128xf32, #tpu.memory_space<hbm>>
    %dma_start3A_350 = tpu.memref_slice %arg11[%dma_start3A_343] : memref<7x!tpu.dma_semaphore, #tpu.memory_space<semaphore_mem>> -> memref<1x!tpu.dma_semaphore, #tpu.memory_space<semaphore_mem>>
    %dma_start3A_351 = tpu.memref_squeeze %dma_start3A_350 : memref<1x!tpu.dma_semaphore, #tpu.memory_space<semaphore_mem>> -> memref<!tpu.dma_semaphore, #tpu.memory_space<semaphore_mem>>
    %dma_start3A_352 = arith.constant 128 : i32
    %dma_start3A_353 = tpu.memref_slice %arg6[%add3A_341, %dma_start3A_352] : memref<16384x256xf32, #tpu.memory_space<hbm>> -> memref<128x128xf32, #tpu.memory_space<hbm>>
    %dma_start3A_354 = arith.constant 0 : i32
    %dma_start3A_355 = arith.constant 0 : i32
    %dma_start3A_356 = tpu.memref_slice %arg9[%dma_start3A_342, %dma_start3A_354, %dma_start3A_355] : memref<7x128x128xf32, #tpu.memory_space<vmem>> -> memref<1x128x128xf32, #tpu.memory_space<vmem>>
    %dma_start3A_357 = tpu.memref_squeeze %dma_start3A_356 : memref<1x128x128xf32, #tpu.memory_space<vmem>> -> memref<128x128xf32, #tpu.memory_space<vmem>>
    tpu.enqueue_dma source(%dma_start3A_357 : memref<128x128xf32, #tpu.memory_space<vmem>>) target(%dma_start3A_353 : memref<128x128xf32, #tpu.memory_space<hbm>>) target_semaphore(%dma_start3A_351 : memref<!tpu.dma_semaphore, #tpu.memory_space<semaphore_mem>>)
    %dma_wait3A_358 = arith.constant 0 : i32
    %dma_wait3A_359 = arith.constant 0 : i32
    %dma_wait3A_360 = arith.constant 0 : i32
    %dma_wait3A_361 = arith.constant 0 : i32
    %dma_wait3A_362 = tpu.memref_slice %arg9[%dma_wait3A_358, %dma_wait3A_360, %dma_wait3A_361] : memref<7x128x128xf32, #tpu.memory_space<vmem>> -> memref<1x128x128xf32, #tpu.memory_space<vmem>>
    %dma_wait3A_363 = tpu.memref_squeeze %dma_wait3A_362 : memref<1x128x128xf32, #tpu.memory_space<vmem>> -> memref<128x128xf32, #tpu.memory_space<vmem>>
    %dma_wait3A_364 = arith.constant 384 : i32
    %dma_wait3A_365 = tpu.memref_slice %arg8[%dma_wait3A_364] : memref<512xi32, #tpu.memory_space<vmem>> -> memref<128xi32, #tpu.memory_space<vmem>>
    %dma_wait3A_366 = arith.constant 0 : i32
    %dma_wait3A_367 = arith.constant 0 : i32
    %dma_wait3A_368 = tpu.memref_slice %arg3[%dma_wait3A_366, %dma_wait3A_367] : memref<100000x128xf32, #tpu.memory_space<hbm>> -> memref<100000x128xf32, #tpu.memory_space<hbm>>
    %dma_wait3A_369 = tpu.memref_slice %arg10[%dma_wait3A_359] : memref<7x!tpu.dma_semaphore, #tpu.memory_space<semaphore_mem>> -> memref<1x!tpu.dma_semaphore, #tpu.memory_space<semaphore_mem>>
    %dma_wait3A_370 = tpu.memref_squeeze %dma_wait3A_369 : memref<1x!tpu.dma_semaphore, #tpu.memory_space<semaphore_mem>> -> memref<!tpu.dma_semaphore, #tpu.memory_space<semaphore_mem>>
    tpu.wait_indirect_dma semaphore(%dma_wait3A_370 : memref<!tpu.dma_semaphore, #tpu.memory_space<semaphore_mem>>) src(%dma_wait3A_368 : memref<100000x128xf32, #tpu.memory_space<hbm>>) dst(%dma_wait3A_363 : memref<128x128xf32, #tpu.memory_space<vmem>>)
    %add3A_371 = arith.constant 384 : i32
    %add3A_372 = arith.addi %mul3A_2, %add3A_371 : i32
    %dma_start3A_373 = arith.constant 0 : i32
    %dma_start3A_374 = arith.constant 0 : i32
    %dma_start3A_375 = arith.constant 0 : i32
    %dma_start3A_376 = arith.constant 0 : i32
    %dma_start3A_377 = tpu.memref_slice %arg9[%dma_start3A_373, %dma_start3A_375, %dma_start3A_376] : memref<7x128x128xf32, #tpu.memory_space<vmem>> -> memref<1x128x128xf32, #tpu.memory_space<vmem>>
    %dma_start3A_378 = tpu.memref_squeeze %dma_start3A_377 : memref<1x128x128xf32, #tpu.memory_space<vmem>> -> memref<128x128xf32, #tpu.memory_space<vmem>>
    %dma_start3A_379 = arith.constant 128 : i32
    %dma_start3A_380 = tpu.memref_slice %arg6[%add3A_372, %dma_start3A_379] : memref<16384x256xf32, #tpu.memory_space<hbm>> -> memref<128x128xf32, #tpu.memory_space<hbm>>
    %dma_start3A_381 = tpu.memref_slice %arg11[%dma_start3A_374] : memref<7x!tpu.dma_semaphore, #tpu.memory_space<semaphore_mem>> -> memref<1x!tpu.dma_semaphore, #tpu.memory_space<semaphore_mem>>
    %dma_start3A_382 = tpu.memref_squeeze %dma_start3A_381 : memref<1x!tpu.dma_semaphore, #tpu.memory_space<semaphore_mem>> -> memref<!tpu.dma_semaphore, #tpu.memory_space<semaphore_mem>>
    %dma_start3A_383 = arith.constant 128 : i32
    %dma_start3A_384 = tpu.memref_slice %arg6[%add3A_372, %dma_start3A_383] : memref<16384x256xf32, #tpu.memory_space<hbm>> -> memref<128x128xf32, #tpu.memory_space<hbm>>
    %dma_start3A_385 = arith.constant 0 : i32
    %dma_start3A_386 = arith.constant 0 : i32
    %dma_start3A_387 = tpu.memref_slice %arg9[%dma_start3A_373, %dma_start3A_385, %dma_start3A_386] : memref<7x128x128xf32, #tpu.memory_space<vmem>> -> memref<1x128x128xf32, #tpu.memory_space<vmem>>
    %dma_start3A_388 = tpu.memref_squeeze %dma_start3A_387 : memref<1x128x128xf32, #tpu.memory_space<vmem>> -> memref<128x128xf32, #tpu.memory_space<vmem>>
    tpu.enqueue_dma source(%dma_start3A_388 : memref<128x128xf32, #tpu.memory_space<vmem>>) target(%dma_start3A_384 : memref<128x128xf32, #tpu.memory_space<hbm>>) target_semaphore(%dma_start3A_382 : memref<!tpu.dma_semaphore, #tpu.memory_space<semaphore_mem>>)
    %dma_wait3A_389 = arith.constant 1 : i32
    %dma_wait3A_390 = arith.constant 1 : i32
    %dma_wait3A_391 = arith.constant 0 : i32
    %dma_wait3A_392 = arith.constant 0 : i32
    %dma_wait3A_393 = tpu.memref_slice %arg9[%dma_wait3A_389, %dma_wait3A_391, %dma_wait3A_392] : memref<7x128x128xf32, #tpu.memory_space<vmem>> -> memref<1x128x128xf32, #tpu.memory_space<vmem>>
    %dma_wait3A_394 = tpu.memref_squeeze %dma_wait3A_393 : memref<1x128x128xf32, #tpu.memory_space<vmem>> -> memref<128x128xf32, #tpu.memory_space<vmem>>
    %dma_wait3A_395 = arith.constant 0 : i32
    %dma_wait3A_396 = tpu.memref_slice %arg6[%add3A_186, %dma_wait3A_395] : memref<16384x256xf32, #tpu.memory_space<hbm>> -> memref<128x128xf32, #tpu.memory_space<hbm>>
    %dma_wait3A_397 = tpu.memref_slice %arg11[%dma_wait3A_390] : memref<7x!tpu.dma_semaphore, #tpu.memory_space<semaphore_mem>> -> memref<1x!tpu.dma_semaphore, #tpu.memory_space<semaphore_mem>>
    %dma_wait3A_398 = tpu.memref_squeeze %dma_wait3A_397 : memref<1x!tpu.dma_semaphore, #tpu.memory_space<semaphore_mem>> -> memref<!tpu.dma_semaphore, #tpu.memory_space<semaphore_mem>>
    %dma_wait3A_399 = arith.constant 0 : i32
    %dma_wait3A_400 = tpu.memref_slice %arg6[%add3A_186, %dma_wait3A_399] : memref<16384x256xf32, #tpu.memory_space<hbm>> -> memref<128x128xf32, #tpu.memory_space<hbm>>
    %dma_wait3A_401 = arith.constant 0 : i32
    %dma_wait3A_402 = arith.constant 0 : i32
    %dma_wait3A_403 = tpu.memref_slice %arg9[%dma_wait3A_389, %dma_wait3A_401, %dma_wait3A_402] : memref<7x128x128xf32, #tpu.memory_space<vmem>> -> memref<1x128x128xf32, #tpu.memory_space<vmem>>
    %dma_wait3A_404 = tpu.memref_squeeze %dma_wait3A_403 : memref<1x128x128xf32, #tpu.memory_space<vmem>> -> memref<128x128xf32, #tpu.memory_space<vmem>>
    tpu.wait_dma2 semaphore(%dma_wait3A_398 : memref<!tpu.dma_semaphore, #tpu.memory_space<semaphore_mem>>) src(%dma_wait3A_404 : memref<128x128xf32, #tpu.memory_space<vmem>>) dst(%dma_wait3A_400 : memref<128x128xf32, #tpu.memory_space<hbm>>)
    %dma_wait3A_405 = arith.constant 2 : i32
    %dma_wait3A_406 = arith.constant 2 : i32
    %dma_wait3A_407 = arith.constant 0 : i32
    %dma_wait3A_408 = arith.constant 0 : i32
    %dma_wait3A_409 = tpu.memref_slice %arg9[%dma_wait3A_405, %dma_wait3A_407, %dma_wait3A_408] : memref<7x128x128xf32, #tpu.memory_space<vmem>> -> memref<1x128x128xf32, #tpu.memory_space<vmem>>
    %dma_wait3A_410 = tpu.memref_squeeze %dma_wait3A_409 : memref<1x128x128xf32, #tpu.memory_space<vmem>> -> memref<128x128xf32, #tpu.memory_space<vmem>>
    %dma_wait3A_411 = arith.constant 0 : i32
    %dma_wait3A_412 = tpu.memref_slice %arg6[%add3A_217, %dma_wait3A_411] : memref<16384x256xf32, #tpu.memory_space<hbm>> -> memref<128x128xf32, #tpu.memory_space<hbm>>
    %dma_wait3A_413 = tpu.memref_slice %arg11[%dma_wait3A_406] : memref<7x!tpu.dma_semaphore, #tpu.memory_space<semaphore_mem>> -> memref<1x!tpu.dma_semaphore, #tpu.memory_space<semaphore_mem>>
    %dma_wait3A_414 = tpu.memref_squeeze %dma_wait3A_413 : memref<1x!tpu.dma_semaphore, #tpu.memory_space<semaphore_mem>> -> memref<!tpu.dma_semaphore, #tpu.memory_space<semaphore_mem>>
    %dma_wait3A_415 = arith.constant 0 : i32
    %dma_wait3A_416 = tpu.memref_slice %arg6[%add3A_217, %dma_wait3A_415] : memref<16384x256xf32, #tpu.memory_space<hbm>> -> memref<128x128xf32, #tpu.memory_space<hbm>>
    %dma_wait3A_417 = arith.constant 0 : i32
    %dma_wait3A_418 = arith.constant 0 : i32
    %dma_wait3A_419 = tpu.memref_slice %arg9[%dma_wait3A_405, %dma_wait3A_417, %dma_wait3A_418] : memref<7x128x128xf32, #tpu.memory_space<vmem>> -> memref<1x128x128xf32, #tpu.memory_space<vmem>>
    %dma_wait3A_420 = tpu.memref_squeeze %dma_wait3A_419 : memref<1x128x128xf32, #tpu.memory_space<vmem>> -> memref<128x128xf32, #tpu.memory_space<vmem>>
    tpu.wait_dma2 semaphore(%dma_wait3A_414 : memref<!tpu.dma_semaphore, #tpu.memory_space<semaphore_mem>>) src(%dma_wait3A_420 : memref<128x128xf32, #tpu.memory_space<vmem>>) dst(%dma_wait3A_416 : memref<128x128xf32, #tpu.memory_space<hbm>>)
    %dma_wait3A_421 = arith.constant 3 : i32
    %dma_wait3A_422 = arith.constant 3 : i32
    %dma_wait3A_423 = arith.constant 0 : i32
    %dma_wait3A_424 = arith.constant 0 : i32
    %dma_wait3A_425 = tpu.memref_slice %arg9[%dma_wait3A_421, %dma_wait3A_423, %dma_wait3A_424] : memref<7x128x128xf32, #tpu.memory_space<vmem>> -> memref<1x128x128xf32, #tpu.memory_space<vmem>>
    %dma_wait3A_426 = tpu.memref_squeeze %dma_wait3A_425 : memref<1x128x128xf32, #tpu.memory_space<vmem>> -> memref<128x128xf32, #tpu.memory_space<vmem>>
    %dma_wait3A_427 = arith.constant 0 : i32
    %dma_wait3A_428 = tpu.memref_slice %arg6[%add3A_248, %dma_wait3A_427] : memref<16384x256xf32, #tpu.memory_space<hbm>> -> memref<128x128xf32, #tpu.memory_space<hbm>>
    %dma_wait3A_429 = tpu.memref_slice %arg11[%dma_wait3A_422] : memref<7x!tpu.dma_semaphore, #tpu.memory_space<semaphore_mem>> -> memref<1x!tpu.dma_semaphore, #tpu.memory_space<semaphore_mem>>
    %dma_wait3A_430 = tpu.memref_squeeze %dma_wait3A_429 : memref<1x!tpu.dma_semaphore, #tpu.memory_space<semaphore_mem>> -> memref<!tpu.dma_semaphore, #tpu.memory_space<semaphore_mem>>
    %dma_wait3A_431 = arith.constant 0 : i32
    %dma_wait3A_432 = tpu.memref_slice %arg6[%add3A_248, %dma_wait3A_431] : memref<16384x256xf32, #tpu.memory_space<hbm>> -> memref<128x128xf32, #tpu.memory_space<hbm>>
    %dma_wait3A_433 = arith.constant 0 : i32
    %dma_wait3A_434 = arith.constant 0 : i32
    %dma_wait3A_435 = tpu.memref_slice %arg9[%dma_wait3A_421, %dma_wait3A_433, %dma_wait3A_434] : memref<7x128x128xf32, #tpu.memory_space<vmem>> -> memref<1x128x128xf32, #tpu.memory_space<vmem>>
    %dma_wait3A_436 = tpu.memref_squeeze %dma_wait3A_435 : memref<1x128x128xf32, #tpu.memory_space<vmem>> -> memref<128x128xf32, #tpu.memory_space<vmem>>
    tpu.wait_dma2 semaphore(%dma_wait3A_430 : memref<!tpu.dma_semaphore, #tpu.memory_space<semaphore_mem>>) src(%dma_wait3A_436 : memref<128x128xf32, #tpu.memory_space<vmem>>) dst(%dma_wait3A_432 : memref<128x128xf32, #tpu.memory_space<hbm>>)
    %dma_wait3A_437 = arith.constant 4 : i32
    %dma_wait3A_438 = arith.constant 4 : i32
    %dma_wait3A_439 = arith.constant 0 : i32
    %dma_wait3A_440 = arith.constant 0 : i32
    %dma_wait3A_441 = tpu.memref_slice %arg9[%dma_wait3A_437, %dma_wait3A_439, %dma_wait3A_440] : memref<7x128x128xf32, #tpu.memory_space<vmem>> -> memref<1x128x128xf32, #tpu.memory_space<vmem>>
    %dma_wait3A_442 = tpu.memref_squeeze %dma_wait3A_441 : memref<1x128x128xf32, #tpu.memory_space<vmem>> -> memref<128x128xf32, #tpu.memory_space<vmem>>
    %dma_wait3A_443 = arith.constant 128 : i32
    %dma_wait3A_444 = tpu.memref_slice %arg6[%add3A_279, %dma_wait3A_443] : memref<16384x256xf32, #tpu.memory_space<hbm>> -> memref<128x128xf32, #tpu.memory_space<hbm>>
    %dma_wait3A_445 = tpu.memref_slice %arg11[%dma_wait3A_438] : memref<7x!tpu.dma_semaphore, #tpu.memory_space<semaphore_mem>> -> memref<1x!tpu.dma_semaphore, #tpu.memory_space<semaphore_mem>>
    %dma_wait3A_446 = tpu.memref_squeeze %dma_wait3A_445 : memref<1x!tpu.dma_semaphore, #tpu.memory_space<semaphore_mem>> -> memref<!tpu.dma_semaphore, #tpu.memory_space<semaphore_mem>>
    %dma_wait3A_447 = arith.constant 128 : i32
    %dma_wait3A_448 = tpu.memref_slice %arg6[%add3A_279, %dma_wait3A_447] : memref<16384x256xf32, #tpu.memory_space<hbm>> -> memref<128x128xf32, #tpu.memory_space<hbm>>
    %dma_wait3A_449 = arith.constant 0 : i32
    %dma_wait3A_450 = arith.constant 0 : i32
    %dma_wait3A_451 = tpu.memref_slice %arg9[%dma_wait3A_437, %dma_wait3A_449, %dma_wait3A_450] : memref<7x128x128xf32, #tpu.memory_space<vmem>> -> memref<1x128x128xf32, #tpu.memory_space<vmem>>
    %dma_wait3A_452 = tpu.memref_squeeze %dma_wait3A_451 : memref<1x128x128xf32, #tpu.memory_space<vmem>> -> memref<128x128xf32, #tpu.memory_space<vmem>>
    tpu.wait_dma2 semaphore(%dma_wait3A_446 : memref<!tpu.dma_semaphore, #tpu.memory_space<semaphore_mem>>) src(%dma_wait3A_452 : memref<128x128xf32, #tpu.memory_space<vmem>>) dst(%dma_wait3A_448 : memref<128x128xf32, #tpu.memory_space<hbm>>)
    %dma_wait3A_453 = arith.constant 5 : i32
    %dma_wait3A_454 = arith.constant 5 : i32
    %dma_wait3A_455 = arith.constant 0 : i32
    %dma_wait3A_456 = arith.constant 0 : i32
    %dma_wait3A_457 = tpu.memref_slice %arg9[%dma_wait3A_453, %dma_wait3A_455, %dma_wait3A_456] : memref<7x128x128xf32, #tpu.memory_space<vmem>> -> memref<1x128x128xf32, #tpu.memory_space<vmem>>
    %dma_wait3A_458 = tpu.memref_squeeze %dma_wait3A_457 : memref<1x128x128xf32, #tpu.memory_space<vmem>> -> memref<128x128xf32, #tpu.memory_space<vmem>>
    %dma_wait3A_459 = arith.constant 128 : i32
    %dma_wait3A_460 = tpu.memref_slice %arg6[%add3A_310, %dma_wait3A_459] : memref<16384x256xf32, #tpu.memory_space<hbm>> -> memref<128x128xf32, #tpu.memory_space<hbm>>
    %dma_wait3A_461 = tpu.memref_slice %arg11[%dma_wait3A_454] : memref<7x!tpu.dma_semaphore, #tpu.memory_space<semaphore_mem>> -> memref<1x!tpu.dma_semaphore, #tpu.memory_space<semaphore_mem>>
    %dma_wait3A_462 = tpu.memref_squeeze %dma_wait3A_461 : memref<1x!tpu.dma_semaphore, #tpu.memory_space<semaphore_mem>> -> memref<!tpu.dma_semaphore, #tpu.memory_space<semaphore_mem>>
    %dma_wait3A_463 = arith.constant 128 : i32
    %dma_wait3A_464 = tpu.memref_slice %arg6[%add3A_310, %dma_wait3A_463] : memref<16384x256xf32, #tpu.memory_space<hbm>> -> memref<128x128xf32, #tpu.memory_space<hbm>>
    %dma_wait3A_465 = arith.constant 0 : i32
    %dma_wait3A_466 = arith.constant 0 : i32
    %dma_wait3A_467 = tpu.memref_slice %arg9[%dma_wait3A_453, %dma_wait3A_465, %dma_wait3A_466] : memref<7x128x128xf32, #tpu.memory_space<vmem>> -> memref<1x128x128xf32, #tpu.memory_space<vmem>>
    %dma_wait3A_468 = tpu.memref_squeeze %dma_wait3A_467 : memref<1x128x128xf32, #tpu.memory_space<vmem>> -> memref<128x128xf32, #tpu.memory_space<vmem>>
    tpu.wait_dma2 semaphore(%dma_wait3A_462 : memref<!tpu.dma_semaphore, #tpu.memory_space<semaphore_mem>>) src(%dma_wait3A_468 : memref<128x128xf32, #tpu.memory_space<vmem>>) dst(%dma_wait3A_464 : memref<128x128xf32, #tpu.memory_space<hbm>>)
    %dma_wait3A_469 = arith.constant 6 : i32
    %dma_wait3A_470 = arith.constant 6 : i32
    %dma_wait3A_471 = arith.constant 0 : i32
    %dma_wait3A_472 = arith.constant 0 : i32
    %dma_wait3A_473 = tpu.memref_slice %arg9[%dma_wait3A_469, %dma_wait3A_471, %dma_wait3A_472] : memref<7x128x128xf32, #tpu.memory_space<vmem>> -> memref<1x128x128xf32, #tpu.memory_space<vmem>>
    %dma_wait3A_474 = tpu.memref_squeeze %dma_wait3A_473 : memref<1x128x128xf32, #tpu.memory_space<vmem>> -> memref<128x128xf32, #tpu.memory_space<vmem>>
    %dma_wait3A_475 = arith.constant 128 : i32
    %dma_wait3A_476 = tpu.memref_slice %arg6[%add3A_341, %dma_wait3A_475] : memref<16384x256xf32, #tpu.memory_space<hbm>> -> memref<128x128xf32, #tpu.memory_space<hbm>>
    %dma_wait3A_477 = tpu.memref_slice %arg11[%dma_wait3A_470] : memref<7x!tpu.dma_semaphore, #tpu.memory_space<semaphore_mem>> -> memref<1x!tpu.dma_semaphore, #tpu.memory_space<semaphore_mem>>
    %dma_wait3A_478 = tpu.memref_squeeze %dma_wait3A_477 : memref<1x!tpu.dma_semaphore, #tpu.memory_space<semaphore_mem>> -> memref<!tpu.dma_semaphore, #tpu.memory_space<semaphore_mem>>
    %dma_wait3A_479 = arith.constant 128 : i32
    %dma_wait3A_480 = tpu.memref_slice %arg6[%add3A_341, %dma_wait3A_479] : memref<16384x256xf32, #tpu.memory_space<hbm>> -> memref<128x128xf32, #tpu.memory_space<hbm>>
    %dma_wait3A_481 = arith.constant 0 : i32
    %dma_wait3A_482 = arith.constant 0 : i32
    %dma_wait3A_483 = tpu.memref_slice %arg9[%dma_wait3A_469, %dma_wait3A_481, %dma_wait3A_482] : memref<7x128x128xf32, #tpu.memory_space<vmem>> -> memref<1x128x128xf32, #tpu.memory_space<vmem>>
    %dma_wait3A_484 = tpu.memref_squeeze %dma_wait3A_483 : memref<1x128x128xf32, #tpu.memory_space<vmem>> -> memref<128x128xf32, #tpu.memory_space<vmem>>
    tpu.wait_dma2 semaphore(%dma_wait3A_478 : memref<!tpu.dma_semaphore, #tpu.memory_space<semaphore_mem>>) src(%dma_wait3A_484 : memref<128x128xf32, #tpu.memory_space<vmem>>) dst(%dma_wait3A_480 : memref<128x128xf32, #tpu.memory_space<hbm>>)
    %dma_wait3A_485 = arith.constant 0 : i32
    %dma_wait3A_486 = arith.constant 0 : i32
    %dma_wait3A_487 = arith.constant 0 : i32
    %dma_wait3A_488 = arith.constant 0 : i32
    %dma_wait3A_489 = tpu.memref_slice %arg9[%dma_wait3A_485, %dma_wait3A_487, %dma_wait3A_488] : memref<7x128x128xf32, #tpu.memory_space<vmem>> -> memref<1x128x128xf32, #tpu.memory_space<vmem>>
    %dma_wait3A_490 = tpu.memref_squeeze %dma_wait3A_489 : memref<1x128x128xf32, #tpu.memory_space<vmem>> -> memref<128x128xf32, #tpu.memory_space<vmem>>
    %dma_wait3A_491 = arith.constant 128 : i32
    %dma_wait3A_492 = tpu.memref_slice %arg6[%add3A_372, %dma_wait3A_491] : memref<16384x256xf32, #tpu.memory_space<hbm>> -> memref<128x128xf32, #tpu.memory_space<hbm>>
    %dma_wait3A_493 = tpu.memref_slice %arg11[%dma_wait3A_486] : memref<7x!tpu.dma_semaphore, #tpu.memory_space<semaphore_mem>> -> memref<1x!tpu.dma_semaphore, #tpu.memory_space<semaphore_mem>>
    %dma_wait3A_494 = tpu.memref_squeeze %dma_wait3A_493 : memref<1x!tpu.dma_semaphore, #tpu.memory_space<semaphore_mem>> -> memref<!tpu.dma_semaphore, #tpu.memory_space<semaphore_mem>>
    %dma_wait3A_495 = arith.constant 128 : i32
    %dma_wait3A_496 = tpu.memref_slice %arg6[%add3A_372, %dma_wait3A_495] : memref<16384x256xf32, #tpu.memory_space<hbm>> -> memref<128x128xf32, #tpu.memory_space<hbm>>
    %dma_wait3A_497 = arith.constant 0 : i32
    %dma_wait3A_498 = arith.constant 0 : i32
    %dma_wait3A_499 = tpu.memref_slice %arg9[%dma_wait3A_485, %dma_wait3A_497, %dma_wait3A_498] : memref<7x128x128xf32, #tpu.memory_space<vmem>> -> memref<1x128x128xf32, #tpu.memory_space<vmem>>
    %dma_wait3A_500 = tpu.memref_squeeze %dma_wait3A_499 : memref<1x128x128xf32, #tpu.memory_space<vmem>> -> memref<128x128xf32, #tpu.memory_space<vmem>>
    tpu.wait_dma2 semaphore(%dma_wait3A_494 : memref<!tpu.dma_semaphore, #tpu.memory_space<semaphore_mem>>) src(%dma_wait3A_500 : memref<128x128xf32, #tpu.memory_space<vmem>>) dst(%dma_wait3A_496 : memref<128x128xf32, #tpu.memory_space<hbm>>)
    return
  }
}

module attributes {stable_mosaic.version = 14 : i64} {
  func.func @body(%arg0: i32, %arg1: memref<8192x256xf32, #tpu.memory_space<vmem>>, %arg2: memref<64x256xf32, #tpu.memory_space<vmem>>, %arg3: memref<1x64xf32, #tpu.memory_space<vmem>>, %arg4: memref<1x64xf32, #tpu.memory_space<vmem>>, %arg5: memref<1x1xf32, #tpu.memory_space<vmem>>, %arg6: memref<8192x1xf32, #tpu.memory_space<vmem>>) attributes {dimension_semantics = [#tpu.dimension_semantics<parallel>], iteration_bounds = array<i64: 2>, scalar_prefetch = 0 : i64, scratch_operands = 0 : i64, tpu.core_type = #tpu.core_type<tc>, window_params = [{transform_indices = @transform_0, window_bounds = array<i64: 8192, 256>}, {pipeline_mode = #tpu.pipeline_mode<synchronous>, transform_indices = @transform_1, window_bounds = array<i64: 64, 256>}, {pipeline_mode = #tpu.pipeline_mode<synchronous>, transform_indices = @transform_2, window_bounds = array<i64: 1, 64>}, {pipeline_mode = #tpu.pipeline_mode<synchronous>, transform_indices = @transform_3, window_bounds = array<i64: 1, 64>}, {pipeline_mode = #tpu.pipeline_mode<synchronous>, transform_indices = @transform_4, window_bounds = array<i64: 1, 1>}, {transform_indices = @transform_5, window_bounds = array<i64: 8192, 1>}]} {
    %get3A = arith.constant 0 : index
    %get3A_0 = arith.constant 0 : index
    %get3A_1 = vector.load %arg1[%get3A, %get3A_0] : memref<8192x256xf32, #tpu.memory_space<vmem>>, vector<8192x256xf32>
    %get3A_2 = arith.constant 0 : index
    %get3A_3 = arith.constant 0 : index
    %get3A_4 = vector.load %arg2[%get3A_2, %get3A_3] : memref<64x256xf32, #tpu.memory_space<vmem>>, vector<64x256xf32>
    %dot_general3A = arith.constant dense<0.000000e+00> : vector<8192x64xf32>
    %dot_general3A_5 = tpu.matmul %get3A_1, %get3A_4, %dot_general3A {dimension_numbers = #tpu.dot_dimension_numbers<[1], [1], [0], [0], [0, 0, 1, 0], [], []>, transpose_lhs_hint = false} : vector<8192x256xf32>, vector<64x256xf32>, vector<8192x64xf32> -> vector<8192x64xf32>
    %get3A_6 = arith.constant 0 : index
    %get3A_7 = arith.constant 0 : index
    %get3A_8 = vector.load %arg3[%get3A_6, %get3A_7] : memref<1x64xf32, #tpu.memory_space<vmem>>, vector<1x64xf32>
    %add3A = vector.broadcast %get3A_8 : vector<1x64xf32> to vector<8192x64xf32>
    %add3A_9 = arith.addf %dot_general3A_5, %add3A : vector<8192x64xf32>
    %max3A = arith.constant 0.000000e+00 : f32
    %max3A_10 = vector.broadcast %max3A : f32 to vector<8192x64xf32>
    %max3A_11 = arith.maximumf %add3A_9, %max3A_10 : vector<8192x64xf32>
    %get3A_12 = arith.constant 0 : index
    %get3A_13 = arith.constant 0 : index
    %get3A_14 = vector.load %arg4[%get3A_12, %get3A_13] : memref<1x64xf32, #tpu.memory_space<vmem>>, vector<1x64xf32>
    %mul3A = vector.broadcast %get3A_14 : vector<1x64xf32> to vector<8192x64xf32>
    %mul3A_15 = arith.mulf %max3A_11, %mul3A : vector<8192x64xf32>
    %reduce_sum3A = arith.constant dense<0.000000e+00> : vector<8192xf32>
    %reduce_sum3A_16 = vector.multi_reduction <add>, %mul3A_15, %reduce_sum3A [1] : vector<8192x64xf32> to vector<8192xf32>
    %broadcast_in_dim3A = vector.shape_cast %reduce_sum3A_16 : vector<8192xf32> to vector<8192x1xf32>
    %get3A_17 = arith.constant 0 : index
    %get3A_18 = arith.constant 0 : index
    %get3A_19 = vector.load %arg5[%get3A_17, %get3A_18] : memref<1x1xf32, #tpu.memory_space<vmem>>, vector<1x1xf32>
    %get3A_20 = vector.extract %get3A_19[0, 0] : f32 from vector<1x1xf32>
    %add3A_21 = vector.broadcast %get3A_20 : f32 to vector<8192x1xf32>
    %add3A_22 = arith.addf %broadcast_in_dim3A, %add3A_21 : vector<8192x1xf32>
    %swap3A = arith.constant 0 : index
    %swap3A_23 = arith.constant 0 : index
    %swap3A_24 = vector.load %arg6[%swap3A, %swap3A_23] : memref<8192x1xf32, #tpu.memory_space<vmem>>, vector<8192x1xf32>
    tpu.vector_store %arg6[%swap3A, %swap3A_23], %add3A_22 {strides = array<i32>} : memref<8192x1xf32, #tpu.memory_space<vmem>>, vector<8192x1xf32>,
    return
  }
  func.func @transform_0(%arg0: i32) -> (i32, i32) {
    %c0_i32 = arith.constant 0 : i32
    %c0_i32_0 = arith.constant 0 : i32
    return %arg0, %c0_i32 : i32, i32
  }
  func.func @transform_1(%arg0: i32) -> (i32, i32) {
    %c0_i32 = arith.constant 0 : i32
    %c0_i32_0 = arith.constant 0 : i32
    %c0_i32_1 = arith.constant 0 : i32
    return %c0_i32, %c0_i32_0 : i32, i32
  }
  func.func @transform_2(%arg0: i32) -> (i32, i32) {
    %c0_i32 = arith.constant 0 : i32
    %c0_i32_0 = arith.constant 0 : i32
    %c0_i32_1 = arith.constant 0 : i32
    return %c0_i32, %c0_i32_0 : i32, i32
  }
  func.func @transform_3(%arg0: i32) -> (i32, i32) {
    %c0_i32 = arith.constant 0 : i32
    %c0_i32_0 = arith.constant 0 : i32
    %c0_i32_1 = arith.constant 0 : i32
    return %c0_i32, %c0_i32_0 : i32, i32
  }
  func.func @transform_4(%arg0: i32) -> (i32, i32) {
    %c0_i32 = arith.constant 0 : i32
    %c0_i32_0 = arith.constant 0 : i32
    %c0_i32_1 = arith.constant 0 : i32
    return %c0_i32, %c0_i32_0 : i32, i32
  }
  func.func @transform_5(%arg0: i32) -> (i32, i32) {
    %c0_i32 = arith.constant 0 : i32
    %c0_i32_0 = arith.constant 0 : i32
    return %arg0, %c0_i32 : i32, i32
  }
}

</mosaic_0001>

<sc_bundles>
// kernel: kernel.4.cloned.1.call-start
scs
__scs_entry_jumppad:
0x0: {  	(pc) =	sbr.rel $0x88, $3  }
0x1: {  	(tag) =	ssettag $0x0;
	lr =	simm.s32 $0x1  }
0x2: {  	[smem:$0x3F9A] =	sst lr;
	_ =	strace $0xD0000000  }
0x3: {  	_ = 	snop  }
0x4: {  	_ = 	snop  }
0x5: {  	_ = 	snop  }
0x6: {  	_ = 	snop  }
0x7: {  	_ = 	snop  }
__scs_overlays_trampoline_lowered:
0x8: {  	[smem:$0x3FA9] =	sst s0  }
0x9: {  	[smem:$0x3FAA] =	sst s1  }
0xa: {  	[smem:$0x3FAB] =	sst s2  }
0xb: {  	[smem:$0x3FAC] =	sst s3  }
0xc: {  	[smem:$0x3FAD] =	sst s4  }
0xd: {  	[smem:$0x3FAE] =	sst s5  }
0xe: {  	[smem:$0x3FAF] =	sst s6  }
0xf: {  	[smem:$0x3FB0] =	sst s7  }
0x10: {  	[smem:$0x3FB1] =	sst s8  }
0x11: {  	[smem:$0x3FB2] =	sst s9;
	s0 =	simm.s32 @!p0 $0x0  }
0x12: {  	s1 =	sld [smem:$0x3F98];
	s0 =	simm.s32 @p0 $0x1  }
0x13: {  	[smem:$0x3FB3] =	sst s0;
	s0 =	simm.s32 @!p1 $0x0  }
0x14: {  	s2 =	sld [smem:$0x3F97];
	s0 =	simm.s32 @p1 $0x1  }
0x15: {  	[smem:$0x3FB4] =	sst s0;
	s0 =	simm.s32 @!p2 $0x0  }
0x16: {  	s3 =	sld [smem:$0x3FDB];
	s0 =	simm.s32 @p2 $0x1  }
0x17: {  	s4 =	simm.s32 $0x1BF5;
	[smem:$0x3FB6] =	sst s0  }
0x18: {  	s0 =	sld [smem:$0x3F99];
	_ =	swait.ge [sflag:s4], $0x0  }
0x19: {  	s7 =	sld [smem:$0x3F9A]  }
0x1a: {  	s8 =	sadd.s32 $0xFFFFE003, lr  }
0x1b: {  	s9 =	sadd.s32 $0xFFFFFEF7, lr;
	s5 =	simm.s32 $0xFFFFFFFF;
	p2 =	slt.u32 s8, $0xFFFFF086  }
0x1c: {  	p1 =	slt.u32 s9, $0xF7A;
	s5 =	simm.s32 @!p2 $0x0  }
0x1d: {  	s5 =	simm.s32 @p1 $0x1;
	p0 =	seq.s32 s7, s2  }
0x1e: {  	s7 =	smul.u32 @!p0 $0xF7A, s2;
	p2 =	seq.s32 @!p0 s5, $0x0  }
0x1f: {  	s9 =	smul.u32 $0xF7A, s1;
	s8 =	simm.s32 @!p0 $0x1BF5;
	p2 =	por !p2, p0  }
0x20: {  	[sflag:s8] =	ssyncset.s32 @!p0 $0xFFFFF086;
	s6 =	sadd.s32 @!p0 s3, s7;
	s7 =	simm.s32 @!p0 $0x108  }
0x21: {  	s3 =	sadd.s32 s3, s9;
	s6 =	sadd.s32 @!p0 $0x88, s6;
	s7 =	simm.s32 @p2 $0x1082  }
0x22: {  	[simem:s7], [sflag:s8] =	dma.local @!p0 [hbm:s6], $0xF7A  }
0x23: {  	s9 =	sor.u32 $0xD0000000, s2;
	s6 =	simm.s32 $0x108;
	_ =	swait.ge @!p0 [sflag:s8], $0x0  }
0x24: {  	s3 =	sadd.s32 $0x88, s3;
	s6 =	simm.s32 @!p1 $0x1082;
	[sflag:s4] =	ssyncset.s32 $0xFFFFF086  }
0x25: {  	[simem:s6], [sflag:s4] =	dma.local [hbm:s3], $0xF7A  }
0x26: {  	[smem:$0x3F9A] =	sst s1;
	(tag) =	ssettag s2;
	_ =	strace s9  }
0x27: {  	s1 =	sld [smem:$0x3FAA]  }
0x28: {  	s2 =	sld [smem:$0x3FAB]  }
0x29: {  	s4 =	sld [smem:$0x3FAD]  }
0x2a: {  	p0 =	seq.s32 s5, $0x0;
	s5 =	sld [smem:$0x3FAE]  }
0x2b: {  	s6 =	sld [smem:$0x3FAF]  }
0x2c: {  	s7 =	sld [smem:$0x3FB0]  }
0x2d: {  	s3 =	simm.s32 $0x108;
	s8 =	sld [smem:$0x3FB1]  }
0x2e: {  	s3 =	simm.s32 @!p0 $0x1082;
	s9 =	sld [smem:$0x3FB2]  }
0x2f: {  	lr =	sadd.s32 s0, s3;
	s0 =	sld [smem:$0x3FA9]  }
0x30: {  	s3 =	sld [smem:$0x3FAC]  }
0x31: {  	[smem:$0x3FB5] =	sst s10  }
0x32: {  	s10 =	sld [smem:$0x3FB3];
	_ =	sdelay $0x3  }
0x33: {  	p0 =	seq.s32 s10, $0x1;
	s10 =	sld [smem:$0x3FB5];
	_ =	sdelay $0x3  }
0x34: {  	[smem:$0x3FB5] =	sst s10  }
0x35: {  	s10 =	sld [smem:$0x3FB4];
	_ =	sdelay $0x3  }
0x36: {  	p1 =	seq.s32 s10, $0x1;
	s10 =	sld [smem:$0x3FB5];
	_ =	sdelay $0x3  }
0x37: {  	[smem:$0x3FB5] =	sst s10  }
0x38: {  	s10 =	sld [smem:$0x3FB6]  }
0x39: {  	_ = 	snop;
	(pc) =	sbr.ind lr, $3  }
0x3a: {  	_ = 	snop  }
0x3b: {  	_ = 	snop  }
0x3c: {  	p2 =	seq.s32 s10, $0x1;
	s10 =	sld [smem:$0x3FB5]  }
0x3d: {  	_ =	shalt  }
0x3e: {  	_ =	shalt  }
0x3f: {  	_ =	shalt  }
0x40: {  	_ =	shalt  }
0x41: {  	_ =	shalt  }
0x42: {  	_ =	shalt  }
0x43: {  	_ =	shalt  }
0x44: {  	_ =	shalt  }
0x45: {  	_ =	shalt  }
0x46: {  	_ =	shalt  }
0x47: {  	_ =	shalt  }
0x48: {  	_ =	shalt  }
0x49: {  	_ =	shalt  }
0x4a: {  	_ =	shalt  }
0x4b: {  	_ =	shalt  }
0x4c: {  	_ =	shalt  }
0x4d: {  	_ =	shalt  }
0x4e: {  	_ =	shalt  }
0x4f: {  	_ =	shalt  }
0x50: {  	_ =	shalt  }
0x51: {  	_ =	shalt  }
0x52: {  	_ =	shalt  }
0x53: {  	_ =	shalt  }
0x54: {  	_ =	shalt  }
0x55: {  	_ =	shalt  }
0x56: {  	_ =	shalt  }
0x57: {  	_ =	shalt  }
0x58: {  	_ =	shalt  }
0x59: {  	_ =	shalt  }
0x5a: {  	_ =	shalt  }
0x5b: {  	_ =	shalt  }
0x5c: {  	_ =	shalt  }
0x5d: {  	_ =	shalt  }
0x5e: {  	_ =	shalt  }
0x5f: {  	_ =	shalt  }
0x60: {  	_ =	shalt  }
0x61: {  	_ =	shalt  }
0x62: {  	_ =	shalt  }
0x63: {  	_ =	shalt  }
0x64: {  	_ =	shalt  }
0x65: {  	_ =	shalt  }
0x66: {  	_ =	shalt  }
0x67: {  	_ =	shalt  }
0x68: {  	_ =	shalt  }
0x69: {  	_ =	shalt  }
0x6a: {  	_ =	shalt  }
0x6b: {  	_ =	shalt  }
0x6c: {  	_ =	shalt  }
0x6d: {  	_ =	shalt  }
0x6e: {  	_ =	shalt  }
0x6f: {  	_ =	shalt  }
0x70: {  	_ =	shalt  }
0x71: {  	_ =	shalt  }
0x72: {  	_ =	shalt  }
0x73: {  	_ =	shalt  }
0x74: {  	_ =	shalt  }
0x75: {  	_ =	shalt  }
0x76: {  	_ =	shalt  }
0x77: {  	_ =	shalt  }
0x78: {  	_ =	shalt  }
0x79: {  	_ =	shalt  }
0x7a: {  	_ =	shalt  }
0x7b: {  	_ =	shalt  }
0x7c: {  	_ =	shalt  }
0x7d: {  	_ =	shalt  }
0x7e: {  	_ =	shalt  }
0x7f: {  	_ =	shalt  }
0x80: {  	_ =	shalt  }
0x81: {  	_ =	shalt  }
0x82: {  	_ =	shalt  }
0x83: {  	_ =	shalt  }
0x84: {  	_ =	shalt  }
0x85: {  	_ =	shalt  }
0x86: {  	_ =	shalt  }
0x87: {  	_ =	shalt  }
.Lfunc_end0:
.L_simem_size_0:
called_computation_lowered:
.L_overlay_start_0:
0x88: {  	s2 =	sld [smem:$0x3FD9]  }
0x89: {  	s3 =	sld [smem:$0x3FFE];
	_ =	sdelay $0x1  }
0x8a: {  	s1 =	srdreg.scid  }
0x8b: {  	s0 =	sand.u32 $0x1, s1  }
0x8c: {  	s17 =	sshll.u32 s0, $0xA;
	s2 =	sadd.s32 s3, s2  }
0x8d: {  	s2 =	sadd.s32 s2, s17  }
0x8e: {  	[smem:$0x3FC1] =	sst s2  }
0x8f: {  	_ = 	snop  }
0x90: {  	s2 =	sld [smem:$0x3FC8]  }
0x91: {  	s18 =	sld [smem:$0x3FC7]  }
0x92: {  	s4 =	sld [smem:$0x3FD0];
	(tm) =	ssettm $0x1  }
0x93: {  	s5 =	sld [smem:$0x3FFB];
	_ =	sdelay $0x3  }
0x94: {  	_ =	strace s5  }
0x95: {  	s5 =	sld [smem:$0x3FFC];
	_ =	sdelay $0x3  }
0x96: {  	_ =	strace s5  }
0x97: {  	s5 =	sld [smem:$0x3FFD];
	_ =	sdelay $0x3  }
0x98: {  	_ =	strace s5  }
0x99: {  	_ =	strace $0x8FFFFFFF  }
0x9a: {  	s19 =	sld [smem:$0x3FDB];
	_ =	sdelay $0x1  }
0x9b: {  	s6 =	simm.s32 $_scs_section_size  }
0x9c: {  	s7 =	simm.s32 $_size__tile_overlayer_lowered;
	s8 =	simm.s32 $_tile_overlayer_lowered  }
0x9d: {  	s22 =	simm.s32 $0x1BFF;
	s21 =	sshll.u32 s8, $0x1;
	s5 =	sadd.s32 s6, s19  }
0x9e: {  	s9 =	simm.s32 $0x0;
	s20 =	sshll.u32 s7, $0x1;
	s7 =	sadd.s32 s21, s5  }
0x9f: {  	[timem:s9], [sflag:s22] =	dma.local [hbm:s7], s20  }
0xa0: {  	_ =	swait.ge [sflag:s22], s20  }
0xa1: {  	s6 =	ssub.s32 $0x0, s20;
	[sflag:s22] =	ssyncset.done $0x0  }
0xa2: {  	[sflag:s22] =	ssyncadd.s32 s6;
	_ =	sdelay $0x1  }
0xa3: {  	s23 =	simm.s32 $0x1B8B  }
0xa4: {  	_ =	swait.ge [sflag:s23], $0x1  }
0xa5: {  	[sflag:s23] =	ssyncset.done $0x0  }
0xa6: {  	s25 =	simm.s32 $0x1B8E;
	s24 =	sld [smem:$0x3FFE];
	[sflag:s23] =	ssyncadd.s32 $0xFFFFFFFF  }
0xa7: {  	s26 =	simm.s32 $execute0_lowered;
	[smem:$0x3FD2] =	sst s25  }
0xa8: {  	s7 =	sshll.u32 s26, $0x1;
	_ =	strace $0x80000046;
	[dreg:$0x1] =	wrdreg $0xFFFFFFFF  }
0xa9: {  	s28 =	simm.s32 $_size_execute0_lowered;
	s5 =	sadd.s32 s5, s7;
	[dreg:$0x0] =	wrdreg $0x0  }
0xaa: {  	s7 =	sshll.u32 s28, $0x1;
	[dreg:$0x2] =	wrdreg s5  }
0xab: {  	[dreg:$0x3] =	wrdreg s7  }
0xac: {  	[dreg:$0x4] =	wrdreg $0xC0  }
0xad: {  	_ =	task [dreg:s9], $0x5FFFF  }
0xae: {  	[dreg:$0x1] =	wrdreg $0xFFFFFFFF  }
0xaf: {  	[dreg:$0x0] =	wrdreg $0x60  }
0xb0: {  	[dreg:$0x2] =	wrdreg s2  }
0xb1: {  	[dreg:$0x3] =	wrdreg s18  }
0xb2: {  	[dreg:$0x4] =	wrdreg s24  }
0xb3: {  	[dreg:$0x5] =	wrdreg s4  }
0xb4: {  	[dreg:$0x6] =	wrdreg $0x9  }
0xb5: {  	_ =	task.clear_ibuf [dreg:s9], $0x7FFFF;
	_ =	strace $0x90000046  }
0xb6: {  	s29 =	simm.s32 $0x9;
	_ =	strace $0x80000048  }
0xb7: {  	_ =	swait.ge [sflag:s29], $0x1  }
0xb8: {  	[sflag:s29] =	ssyncadd.s32 $0xFFFFFFFF  }
0xb9: {  	_ =	strace $0x90000048  }
0xba: {  	_ =	sfence  }
0xbb: {  	s30 =	sld [smem:$0x0];
	_ =	sdelay $0x2  }
0xbc: {  	s31 =	sshll.u32 s1, $0xD;
	s1 =	sshrl.u32 s1, $0x2  }
0xbd: {  	s3 =	sand.u32 $0x4000, s31;
	s1 =	sadd.s32 s1, s30  }
0xbe: {  	s0 =	sor.u32 s3, s0;
	s1 =	sshll.u32 s1, $0x11  }
0xbf: {  	s0 =	sor.u32 s1, s0  }
0xc0: {  	s0 =	sadd.s32 $0x8F2B, s0  }
0xc1: {  	[sflag:s0] =	ssyncadd.remote.s32 $0x1  }
0xc2: {  	_ =	sfence.sel $0xFFFF  }
0xc3: {  	[dreg:$0x0] =	wrdreg $0xFFFFFFFF;
	(pc) =	sbr.abs _section_cstart, $3  }
0xc4: {  	[dreg:$0x1] =	wrdreg $0xFFFFFFFF  }
0xc5: {  	_ =	task.clear_ibuf [dreg:s9], $0x2FFFF;
	_ =	strace $0x9FFFFFFF  }
0xc6: {  	(tm) =	ssettm $0x7FFFFFFF  }
0xc7: {  	_ =	shalt  }
tec
execute0_lowered:
.L_overlay_start_1:
0x0: {  	(tag) =	ssettag $0x1  }
0x1: {  	s6 =	rddreg [dreg:$0x0]  }
0x2: {  	s0 =	srdreg.scid;
	s2 =	rddreg [dreg:$0x1]  }
0x3: {  	s3 =	stileid.u32;
	s1 =	rddreg [dreg:$0x2]  }
0x4: {  	s5 =	rddreg [dreg:$0x3];
	s11 =	simm.s32 $0x0;
	s28 =	simm.s32 $0x200  }
0x5: {  	s24 =	simm.s32 $0x80;
	s22 =	simm.s32 $0x100;
	s23 =	simm.s32 $0x4400  }
0x6: {  	s25 =	simm.s32 $0x180;
	s26 =	simm.s32 $0x280;
	s12 =	simm.s32 $0x18400  }
0x7: {  	s8 =	simm.s32 $0x800;
	s31 =	simm.s32 $0x380;
	s29 =	simm.s32 $0x3  }
0x8: {  	p0 =	por $0x0, $0x0;
	s10 =	simm.s32 $0xC;
	[smem:$0x7FF] =	sst s11  }
0x9: {  	s9 =	simm.s32 $0xD;
	_ =	strace $0x80000047;
	[dreg:$0xf] =	wrdreg s22  }
0xa: {  	s0 =	sand.u32 $0x1, s0;
	s3 =	sshll.u32 s3, $0xA;
	[dreg:$0x10] =	wrdreg s25  }
0xb: {  	s4 =	sshll.u32 s0, $0x9;
	s0 =	ssub.s32 $0x2, s0;
	[dreg:$0x11] =	wrdreg s26  }
0xc: {  	s26 =	simm.s32 $0x4;
	s25 =	simm.s32 $0x5;
	s3 =	sor.u32 s4, s3  }
0xd: {  	s22 =	simm.s32 $0x6;
	s20 =	sshrl.u32 s0, $0x1;
	s4 =	sshrl.u32 s3, $0x3  }
0xe: {  	s3 =	sshll.u32 s3, $0x5;
	s7 =	sadd.s32 s4, s1;
	s13 =	sadd.s32 s5, s4  }
0xf: {  	s1 =	sadd.s32 s3, s1;
	s7 =	sadd.s32 $0xC00, s7;
	[dreg:$0x6] =	wrdreg s13  }
0x10: {  	s0 =	ssub.s32 s0, s20;
	s14 =	sadd.s32 $0x1400, s1;
	[dreg:$0x5] =	wrdreg s7  }
0x11: {  	s20 =	simm.s32 $0x2;
	s15 =	sadd.s32 $0x2400, s1;
	[dreg:$0x7] =	wrdreg s14  }
0x12: {  	s0 =	smax.u32 s0, $0x1;
	s16 =	sadd.s32 $0x3400, s1;
	[dreg:$0x8] =	wrdreg s15  }
0x13: {  	s4 =	simm.s32 $0x1;
	s17 =	sadd.s32 $0x4400, s1;
	[dreg:$0x9] =	wrdreg s16  }
0x14: {  	s5 =	simm.s32 $0x400;
	s18 =	sadd.s32 $0x1480, s1;
	[dreg:$0xa] =	wrdreg s17  }
0x15: {  	s3 =	simm.s32 $0x8;
	s19 =	sadd.s32 $0x2480, s1;
	[dreg:$0xb] =	wrdreg s18  }
0x16: {  	s21 =	sadd.s32 $0x3480, s1;
	p1 =	sne.s32 s0, $0x1;
	[dreg:$0xc] =	wrdreg s19  }
.Ltmp0:
0x17: {  	s1 =	sadd.s32 $0x4480, s1;
	[dreg:$0xd] =	wrdreg s21;
	(pc) =	sbr.rel @!p1 .LBB2_1-.Ltmp0, $4  }
0x18: {  	s30 =	sadd.s32 $0xFFFFFFFF, s0;
	s13 =	simm.s32 $0xB;
	[dreg:$0xe] =	wrdreg s1  }
0x19: {  	s21 =	simm.s32 $0x8400;
	s19 =	simm.s32 $0xC400;
	s17 =	simm.s32 $0x10400  }
0x1a: {  	s15 =	simm.s32 $0x14400;
	s18 =	simm.s32 $0x7;
	s16 =	simm.s32 $0x9  }
0x1b: {  	s14 =	simm.s32 $0xA;
	s7 =	simm.s32 $0xE;
	s0 =	rddreg [dreg:$0x5]  }
0x1c: {  	[tilespmem:s11], [sflag:$0x1] =	stream.linear.gather [hbm4b:s0+s11], $0x200, $0x38;
	[tilespmem:$0x1C400] =	vst v63  }
0x1d: {  	s1 =	rddreg [dreg:$0x6]  }
0x1e: {  	[tilespmem:s28], [sflag:$0x2] =	stream.linear.gather [hbm4b:s1+s11], $0x200, $0x38;
	[tilespmem:$0x1C400] =	vst v63  }
0x1f: {  	_ =	swait.ge [sflag:s4], $0x200  }
0x20: {  	[sflag:s4] =	ssyncset.done $0x0  }
0x21: {  	[sflag:s4] =	ssyncadd.s32 $0xFFFFFE00  }
0x22: {  	_ =	swait.ge [sflag:s20], $0x200  }
0x23: {  	[sflag:s20] =	ssyncset.done $0x0  }
0x24: {  	[sflag:s20] =	ssyncadd.s32 $0xFFFFFE00  }
0x25: {  	[tilespmem:s5], [sflag:$0x1] =	stream.indirect.gather [hbm4b:s6+s24], $0x80, s11, s24, $0xb8;
	[tilespmem:$0x1C400] =	vst v63  }
0x26: {  	_ = 	snop  }
0x27: {  	[tilespmem:s23], [sflag:$0x2] =	stream.indirect.gather [hbm4b:s6+s24], $0x80, s24, s24, $0xb8;
	[tilespmem:$0x1C400] =	vst v63  }
0x28: {  	s0 =	rddreg [dreg:$0xf]  }
0x29: {  	[tilespmem:s21], [sflag:$0x3] =	stream.indirect.gather [hbm4b:s6+s24], $0x80, s0, s24, $0xb8;
	[tilespmem:$0x1C400] =	vst v63  }
0x2a: {  	s1 =	rddreg [dreg:$0x10]  }
0x2b: {  	[tilespmem:s19], [sflag:$0x4] =	stream.indirect.gather [hbm4b:s6+s24], $0x80, s1, s24, $0xb8;
	[tilespmem:$0x1C400] =	vst v63  }
0x2c: {  	_ = 	snop  }
0x2d: {  	[tilespmem:s17], [sflag:$0x5] =	stream.indirect.gather [hbm4b:s2+s24], $0x80, s28, s24, $0xb8;
	[tilespmem:$0x1C400] =	vst v63  }
0x2e: {  	s1 =	rddreg [dreg:$0x11]  }
0x2f: {  	[tilespmem:s15], [sflag:$0x6] =	stream.indirect.gather [hbm4b:s2+s24], $0x80, s1, s24, $0xb8;
	[tilespmem:$0x1C400] =	vst v63  }
0x30: {  	s1 =	simm.s32 $0x300  }
0x31: {  	[tilespmem:s12], [sflag:$0x7] =	stream.indirect.gather [hbm4b:s2+s24], $0x80, s1, s24, $0xb8;
	[tilespmem:$0x1C400] =	vst v63  }
0x32: {  	_ =	swait.ge [sflag:s4], $0x4000  }
0x33: {  	[sflag:s4] =	ssyncset.done $0x0  }
0x34: {  	s1 =	rddreg [dreg:$0x7];
	[sflag:s4] =	ssyncadd.s32 $0xFFFFC000  }
0x35: {  	[hbm4b:s1+s5] =	stream.strided.scatter [tilespmem:s5], [sflag:$0x8], $0x4000, s8, s5, $0x38;
	[tilespmem:$0x1C400] =	vst v63  }
0x36: {  	_ =	swait.ge [sflag:s3], $0x4000  }
0x37: {  	[sflag:s3] =	ssyncset.done $0x0  }
0x38: {  	[sflag:s3] =	ssyncadd.s32 $0xFFFFC000  }
0x39: {  	[tilespmem:s5], [sflag:$0x1] =	stream.indirect.gather [hbm4b:s2+s24], $0x80, s31, s24, $0xb8;
	[tilespmem:$0x1C400] =	vst v63  }
0x3a: {  	_ =	swait.ge [sflag:s20], $0x4000  }
0x3b: {  	[sflag:s20] =	ssyncset.done $0x0  }
0x3c: {  	s1 =	rddreg [dreg:$0x8];
	[sflag:s20] =	ssyncadd.s32 $0xFFFFC000  }
0x3d: {  	[hbm4b:s1+s5] =	stream.strided.scatter [tilespmem:s23], [sflag:$0x9], $0x4000, s8, s5, $0x38;
	[tilespmem:$0x1C400] =	vst v63  }
0x3e: {  	_ =	swait.ge [sflag:s29], $0x4000  }
0x3f: {  	[sflag:s29] =	ssyncset.done $0x0  }
0x40: {  	s1 =	rddreg [dreg:$0x9];
	[sflag:s29] =	ssyncadd.s32 $0xFFFFC000  }
0x41: {  	[hbm4b:s1+s5] =	stream.strided.scatter [tilespmem:s21], [sflag:$0xA], $0x4000, s8, s5, $0x38;
	[tilespmem:$0x1C400] =	vst v63  }
0x42: {  	_ =	swait.ge [sflag:s26], $0x4000  }
0x43: {  	[sflag:s26] =	ssyncset.done $0x0  }
0x44: {  	s1 =	rddreg [dreg:$0xa];
	[sflag:s26] =	ssyncadd.s32 $0xFFFFC000  }
0x45: {  	[hbm4b:s1+s5] =	stream.strided.scatter [tilespmem:s19], [sflag:$0xB], $0x4000, s8, s5, $0x38;
	[tilespmem:$0x1C400] =	vst v63  }
0x46: {  	_ =	swait.ge [sflag:s25], $0x4000  }
0x47: {  	[sflag:s25] =	ssyncset.done $0x0  }
0x48: {  	s1 =	rddreg [dreg:$0xb];
	[sflag:s25] =	ssyncadd.s32 $0xFFFFC000  }
0x49: {  	[hbm4b:s1+s5] =	stream.strided.scatter [tilespmem:s17], [sflag:$0xC], $0x4000, s8, s5, $0x38;
	[tilespmem:$0x1C400] =	vst v63  }
0x4a: {  	_ =	swait.ge [sflag:s22], $0x4000  }
0x4b: {  	[sflag:s22] =	ssyncset.done $0x0  }
0x4c: {  	s1 =	rddreg [dreg:$0xc];
	[sflag:s22] =	ssyncadd.s32 $0xFFFFC000  }
0x4d: {  	[hbm4b:s1+s5] =	stream.strided.scatter [tilespmem:s15], [sflag:$0xD], $0x4000, s8, s5, $0x38;
	[tilespmem:$0x1C400] =	vst v63  }
0x4e: {  	_ =	swait.ge [sflag:s18], $0x4000  }
0x4f: {  	[sflag:s18] =	ssyncset.done $0x0  }
0x50: {  	s1 =	rddreg [dreg:$0xd];
	[sflag:s18] =	ssyncadd.s32 $0xFFFFC000  }
0x51: {  	[hbm4b:s1+s5] =	stream.strided.scatter [tilespmem:s12], [sflag:$0xE], $0x4000, s8, s5, $0x38;
	[tilespmem:$0x1C400] =	vst v63  }
0x52: {  	_ =	swait.ge [sflag:s4], $0x4000  }
0x53: {  	[sflag:s4] =	ssyncset.done $0x0  }
0x54: {  	s1 =	rddreg [dreg:$0xe];
	[sflag:s4] =	ssyncadd.s32 $0xFFFFC000  }
0x55: {  	[hbm4b:s1+s5] =	stream.strided.scatter [tilespmem:s5], [sflag:$0x8], $0x4000, s8, s5, $0x38;
	[tilespmem:$0x1C400] =	vst v63  }
0x56: {  	_ =	swait.ge [sflag:s16], $0x4000  }
0x57: {  	[sflag:s16] =	ssyncset.done $0x0  }
0x58: {  	[sflag:s16] =	ssyncadd.s32 $0xFFFFC000  }
0x59: {  	_ =	swait.ge [sflag:s14], $0x4000  }
0x5a: {  	[sflag:s14] =	ssyncset.done $0x0  }
0x5b: {  	[sflag:s14] =	ssyncadd.s32 $0xFFFFC000  }
0x5c: {  	_ =	swait.ge [sflag:s13], $0x4000  }
0x5d: {  	[sflag:s13] =	ssyncset.done $0x0  }
0x5e: {  	[sflag:s13] =	ssyncadd.s32 $0xFFFFC000  }
0x5f: {  	_ =	swait.ge [sflag:s10], $0x4000  }
0x60: {  	[sflag:s10] =	ssyncset.done $0x0  }
0x61: {  	[sflag:s10] =	ssyncadd.s32 $0xFFFFC000  }
0x62: {  	_ =	swait.ge [sflag:s9], $0x4000  }
0x63: {  	[sflag:s9] =	ssyncset.done $0x0  }
0x64: {  	p1 =	sne.s32 s30, $0x1;
	[sflag:s9] =	ssyncadd.s32 $0xFFFFC000  }
.Ltmp1:
0x65: {  	_ =	swait.ge [sflag:s7], $0x4000;
	(pc) =	sbr.rel @!p1 .LBB2_3-.Ltmp1, $4  }
0x66: {  	[sflag:s7] =	ssyncset.done $0x0  }
0x67: {  	[sflag:s7] =	ssyncadd.s32 $0xFFFFC000  }
0x68: {  	p0 =	por $0x1, $0x1;
	_ =	swait.ge [sflag:s3], $0x4000  }
0x69: {  	s1 =	sadd.s32 $0xFFFFFFFF, s30;
	s0 =	rddreg [dreg:$0x5];
	[sflag:s3] =	ssyncset.done $0x0  }
.LBB2_4:
0x6a: {  	[sflag:s3] =	ssyncadd.s32 $0xFFFFC000  }
0x6b: {  	[tilespmem:s11], [sflag:$0x1] =	stream.linear.gather [hbm4b:s0+s11], $0x200, $0x38;
	[tilespmem:$0x1C400] =	vst v63  }
0x6c: {  	s30 =	rddreg [dreg:$0x6]  }
0x6d: {  	[tilespmem:s28], [sflag:$0x2] =	stream.linear.gather [hbm4b:s30+s11], $0x200, $0x38;
	[tilespmem:$0x1C400] =	vst v63  }
0x6e: {  	_ =	swait.ge [sflag:s4], $0x200  }
0x6f: {  	[sflag:s4] =	ssyncset.done $0x0  }
0x70: {  	[sflag:s4] =	ssyncadd.s32 $0xFFFFFE00  }
0x71: {  	_ =	swait.ge [sflag:s20], $0x200  }
0x72: {  	[sflag:s20] =	ssyncset.done $0x0  }
0x73: {  	[sflag:s20] =	ssyncadd.s32 $0xFFFFFE00  }
0x74: {  	[tilespmem:s5], [sflag:$0x1] =	stream.indirect.gather [hbm4b:s6+s24], $0x80, s11, s24, $0xb8;
	[tilespmem:$0x1C400] =	vst v63  }
0x75: {  	_ = 	snop  }
0x76: {  	[tilespmem:s23], [sflag:$0x2] =	stream.indirect.gather [hbm4b:s6+s24], $0x80, s24, s24, $0xb8;
	[tilespmem:$0x1C400] =	vst v63  }
0x77: {  	s0 =	rddreg [dreg:$0xf]  }
0x78: {  	[tilespmem:s21], [sflag:$0x3] =	stream.indirect.gather [hbm4b:s6+s24], $0x80, s0, s24, $0xb8;
	[tilespmem:$0x1C400] =	vst v63  }
0x79: {  	s30 =	rddreg [dreg:$0x10]  }
0x7a: {  	[tilespmem:s19], [sflag:$0x4] =	stream.indirect.gather [hbm4b:s6+s24], $0x80, s30, s24, $0xb8;
	[tilespmem:$0x1C400] =	vst v63  }
0x7b: {  	_ = 	snop  }
0x7c: {  	[tilespmem:s17], [sflag:$0x5] =	stream.indirect.gather [hbm4b:s2+s24], $0x80, s28, s24, $0xb8;
	[tilespmem:$0x1C400] =	vst v63  }
0x7d: {  	s30 =	rddreg [dreg:$0x11]  }
0x7e: {  	[tilespmem:s15], [sflag:$0x6] =	stream.indirect.gather [hbm4b:s2+s24], $0x80, s30, s24, $0xb8;
	[tilespmem:$0x1C400] =	vst v63  }
0x7f: {  	s30 =	simm.s32 $0x300  }
0x80: {  	[tilespmem:s12], [sflag:$0x7] =	stream.indirect.gather [hbm4b:s2+s24], $0x80, s30, s24, $0xb8;
	[tilespmem:$0x1C400] =	vst v63  }
0x81: {  	_ =	swait.ge [sflag:s4], $0x4000  }
0x82: {  	[sflag:s4] =	ssyncset.done $0x0  }
0x83: {  	s30 =	rddreg [dreg:$0x7];
	[sflag:s4] =	ssyncadd.s32 $0xFFFFC000  }
0x84: {  	[hbm4b:s30+s5] =	stream.strided.scatter [tilespmem:s5], [sflag:$0x8], $0x4000, s8, s5, $0x38;
	[tilespmem:$0x1C400] =	vst v63  }
0x85: {  	_ =	swait.ge [sflag:s3], $0x4000  }
0x86: {  	[sflag:s3] =	ssyncset.done $0x0  }
0x87: {  	[sflag:s3] =	ssyncadd.s32 $0xFFFFC000  }
0x88: {  	[tilespmem:s5], [sflag:$0x1] =	stream.indirect.gather [hbm4b:s2+s24], $0x80, s31, s24, $0xb8;
	[tilespmem:$0x1C400] =	vst v63  }
0x89: {  	_ =	swait.ge [sflag:s20], $0x4000  }
0x8a: {  	[sflag:s20] =	ssyncset.done $0x0  }
0x8b: {  	s30 =	rddreg [dreg:$0x8];
	[sflag:s20] =	ssyncadd.s32 $0xFFFFC000  }
0x8c: {  	[hbm4b:s30+s5] =	stream.strided.scatter [tilespmem:s23], [sflag:$0x9], $0x4000, s8, s5, $0x38;
	[tilespmem:$0x1C400] =	vst v63  }
0x8d: {  	_ =	swait.ge [sflag:s29], $0x4000  }
0x8e: {  	[sflag:s29] =	ssyncset.done $0x0  }
0x8f: {  	s30 =	rddreg [dreg:$0x9];
	[sflag:s29] =	ssyncadd.s32 $0xFFFFC000  }
0x90: {  	[hbm4b:s30+s5] =	stream.strided.scatter [tilespmem:s21], [sflag:$0xA], $0x4000, s8, s5, $0x38;
	[tilespmem:$0x1C400] =	vst v63  }
0x91: {  	_ =	swait.ge [sflag:s26], $0x4000  }
0x92: {  	[sflag:s26] =	ssyncset.done $0x0  }
0x93: {  	s30 =	rddreg [dreg:$0xa];
	[sflag:s26] =	ssyncadd.s32 $0xFFFFC000  }
0x94: {  	[hbm4b:s30+s5] =	stream.strided.scatter [tilespmem:s19], [sflag:$0xB], $0x4000, s8, s5, $0x38;
	[tilespmem:$0x1C400] =	vst v63  }
0x95: {  	_ =	swait.ge [sflag:s25], $0x4000  }
0x96: {  	[sflag:s25] =	ssyncset.done $0x0  }
0x97: {  	s30 =	rddreg [dreg:$0xb];
	[sflag:s25] =	ssyncadd.s32 $0xFFFFC000  }
0x98: {  	[hbm4b:s30+s5] =	stream.strided.scatter [tilespmem:s17], [sflag:$0xC], $0x4000, s8, s5, $0x38;
	[tilespmem:$0x1C400] =	vst v63  }
0x99: {  	_ =	swait.ge [sflag:s22], $0x4000  }
0x9a: {  	[sflag:s22] =	ssyncset.done $0x0  }
0x9b: {  	s30 =	rddreg [dreg:$0xc];
	[sflag:s22] =	ssyncadd.s32 $0xFFFFC000  }
0x9c: {  	[hbm4b:s30+s5] =	stream.strided.scatter [tilespmem:s15], [sflag:$0xD], $0x4000, s8, s5, $0x38;
	[tilespmem:$0x1C400] =	vst v63  }
0x9d: {  	_ =	swait.ge [sflag:s18], $0x4000  }
0x9e: {  	[sflag:s18] =	ssyncset.done $0x0  }
0x9f: {  	s30 =	rddreg [dreg:$0xd];
	[sflag:s18] =	ssyncadd.s32 $0xFFFFC000  }
0xa0: {  	[hbm4b:s30+s5] =	stream.strided.scatter [tilespmem:s12], [sflag:$0xE], $0x4000, s8, s5, $0x38;
	[tilespmem:$0x1C400] =	vst v63  }
0xa1: {  	_ =	swait.ge [sflag:s4], $0x4000  }
0xa2: {  	[sflag:s4] =	ssyncset.done $0x0  }
0xa3: {  	s30 =	rddreg [dreg:$0xe];
	[sflag:s4] =	ssyncadd.s32 $0xFFFFC000  }
0xa4: {  	[hbm4b:s30+s5] =	stream.strided.scatter [tilespmem:s5], [sflag:$0x8], $0x4000, s8, s5, $0x38;
	[tilespmem:$0x1C400] =	vst v63  }
0xa5: {  	_ =	swait.ge [sflag:s16], $0x4000  }
0xa6: {  	[sflag:s16] =	ssyncset.done $0x0  }
0xa7: {  	[sflag:s16] =	ssyncadd.s32 $0xFFFFC000  }
0xa8: {  	_ =	swait.ge [sflag:s14], $0x4000  }
0xa9: {  	[sflag:s14] =	ssyncset.done $0x0  }
0xaa: {  	[sflag:s14] =	ssyncadd.s32 $0xFFFFC000  }
0xab: {  	_ =	swait.ge [sflag:s13], $0x4000  }
0xac: {  	[sflag:s13] =	ssyncset.done $0x0  }
0xad: {  	[sflag:s13] =	ssyncadd.s32 $0xFFFFC000  }
0xae: {  	_ =	swait.ge [sflag:s10], $0x4000  }
0xaf: {  	[sflag:s10] =	ssyncset.done $0x0  }
0xb0: {  	[sflag:s10] =	ssyncadd.s32 $0xFFFFC000  }
0xb1: {  	_ =	swait.ge [sflag:s9], $0x4000  }
0xb2: {  	[sflag:s9] =	ssyncset.done $0x0  }
0xb3: {  	p1 =	sne.s32 s1, $0x1;
	[sflag:s9] =	ssyncadd.s32 $0xFFFFC000  }
.Ltmp2:
0xb4: {  	_ =	swait.ge [sflag:s7], $0x4000;
	(pc) =	sbr.rel @p1 .LBB2_4-.Ltmp2, $4  }
0xb5: {  	[sflag:s7] =	ssyncset.done $0x0  }
0xb6: {  	[sflag:s7] =	ssyncadd.s32 $0xFFFFC000  }
0xb7: {  	_ =	swait.ge [sflag:s3], $0x4000  }
0xb8: {  	s1 =	sadd.s32 $0xFFFFFFFF, s1;
	s0 =	rddreg [dreg:$0x5];
	[sflag:s3] =	ssyncset.done $0x0  }
0xb9: {  	s30 =	simm.s32 $0x300;
	s31 =	simm.s32 $0x380  }
.LBB2_6:
0xba: {  	[sflag:s3] =	ssyncadd.s32 @p0 $0xFFFFC000  }
0xbb: {  	[tilespmem:s11], [sflag:$0x1] =	stream.linear.gather [hbm4b:s0+s11], $0x200, $0x38;
	[tilespmem:$0x1C400] =	vst v63  }
0xbc: {  	s1 =	rddreg [dreg:$0x6]  }
0xbd: {  	[tilespmem:s28], [sflag:$0x2] =	stream.linear.gather [hbm4b:s1+s11], $0x200, $0x38;
	[tilespmem:$0x1C400] =	vst v63  }
0xbe: {  	_ =	swait.ge [sflag:s4], $0x200  }
0xbf: {  	[sflag:s4] =	ssyncset.done $0x0  }
0xc0: {  	[sflag:s4] =	ssyncadd.s32 $0xFFFFFE00  }
0xc1: {  	_ =	swait.ge [sflag:s20], $0x200  }
0xc2: {  	[sflag:s20] =	ssyncset.done $0x0  }
0xc3: {  	[sflag:s20] =	ssyncadd.s32 $0xFFFFFE00  }
0xc4: {  	[tilespmem:s5], [sflag:$0x1] =	stream.indirect.gather [hbm4b:s6+s24], $0x80, s11, s24, $0xb8;
	[tilespmem:$0x1C400] =	vst v63  }
0xc5: {  	_ = 	snop  }
0xc6: {  	[tilespmem:s23], [sflag:$0x2] =	stream.indirect.gather [hbm4b:s6+s24], $0x80, s24, s24, $0xb8;
	[tilespmem:$0x1C400] =	vst v63  }
0xc7: {  	s1 =	rddreg [dreg:$0xf]  }
0xc8: {  	[tilespmem:s21], [sflag:$0x3] =	stream.indirect.gather [hbm4b:s6+s24], $0x80, s1, s24, $0xb8;
	[tilespmem:$0x1C400] =	vst v63  }
0xc9: {  	s11 =	rddreg [dreg:$0x10]  }
0xca: {  	[tilespmem:s19], [sflag:$0x4] =	stream.indirect.gather [hbm4b:s6+s24], $0x80, s11, s24, $0xb8;
	[tilespmem:$0x1C400] =	vst v63  }
0xcb: {  	_ = 	snop  }
0xcc: {  	[tilespmem:s17], [sflag:$0x5] =	stream.indirect.gather [hbm4b:s2+s24], $0x80, s28, s24, $0xb8;
	[tilespmem:$0x1C400] =	vst v63  }
0xcd: {  	s1 =	rddreg [dreg:$0x11]  }
0xce: {  	[tilespmem:s15], [sflag:$0x6] =	stream.indirect.gather [hbm4b:s2+s24], $0x80, s1, s24, $0xb8;
	[tilespmem:$0x1C400] =	vst v63  }
0xcf: {  	_ = 	snop  }
0xd0: {  	[tilespmem:s12], [sflag:$0x7] =	stream.indirect.gather [hbm4b:s2+s24], $0x80, s30, s24, $0xb8;
	[tilespmem:$0x1C400] =	vst v63  }
0xd1: {  	_ =	swait.ge [sflag:s4], $0x4000  }
0xd2: {  	[sflag:s4] =	ssyncset.done $0x0  }
0xd3: {  	s6 =	rddreg [dreg:$0x7];
	[sflag:s4] =	ssyncadd.s32 $0xFFFFC000  }
0xd4: {  	[hbm4b:s6+s5] =	stream.strided.scatter [tilespmem:s5], [sflag:$0x8], $0x4000, s8, s5, $0x38;
	[tilespmem:$0x1C400] =	vst v63  }
0xd5: {  	_ =	swait.ge [sflag:s3], $0x4000  }
0xd6: {  	[sflag:s3] =	ssyncset.done $0x0  }
0xd7: {  	[sflag:s3] =	ssyncadd.s32 $0xFFFFC000  }
0xd8: {  	[tilespmem:s5], [sflag:$0x1] =	stream.indirect.gather [hbm4b:s2+s24], $0x80, s31, s24, $0xb8;
	[tilespmem:$0x1C400] =	vst v63  }
0xd9: {  	_ =	swait.ge [sflag:s20], $0x4000  }
0xda: {  	[sflag:s20] =	ssyncset.done $0x0  }
0xdb: {  	s11 =	rddreg [dreg:$0x8];
	[sflag:s20] =	ssyncadd.s32 $0xFFFFC000  }
0xdc: {  	[hbm4b:s11+s5] =	stream.strided.scatter [tilespmem:s23], [sflag:$0x9], $0x4000, s8, s5, $0x38;
	[tilespmem:$0x1C400] =	vst v63  }
0xdd: {  	_ =	swait.ge [sflag:s29], $0x4000  }
0xde: {  	[sflag:s29] =	ssyncset.done $0x0  }
0xdf: {  	s23 =	rddreg [dreg:$0x9];
	[sflag:s29] =	ssyncadd.s32 $0xFFFFC000  }
0xe0: {  	[hbm4b:s23+s5] =	stream.strided.scatter [tilespmem:s21], [sflag:$0xA], $0x4000, s8, s5, $0x38;
	[tilespmem:$0x1C400] =	vst v63  }
0xe1: {  	_ =	swait.ge [sflag:s26], $0x4000  }
0xe2: {  	[sflag:s26] =	ssyncset.done $0x0  }
0xe3: {  	s24 =	rddreg [dreg:$0xa];
	[sflag:s26] =	ssyncadd.s32 $0xFFFFC000  }
0xe4: {  	[hbm4b:s24+s5] =	stream.strided.scatter [tilespmem:s19], [sflag:$0xB], $0x4000, s8, s5, $0x38;
	[tilespmem:$0x1C400] =	vst v63  }
0xe5: {  	_ =	swait.ge [sflag:s25], $0x4000  }
0xe6: {  	[sflag:s25] =	ssyncset.done $0x0  }
0xe7: {  	s26 =	rddreg [dreg:$0xb];
	[sflag:s25] =	ssyncadd.s32 $0xFFFFC000  }
0xe8: {  	[hbm4b:s26+s5] =	stream.strided.scatter [tilespmem:s17], [sflag:$0xC], $0x4000, s8, s5, $0x38;
	[tilespmem:$0x1C400] =	vst v63  }
0xe9: {  	_ =	swait.ge [sflag:s22], $0x4000  }
0xea: {  	[sflag:s22] =	ssyncset.done $0x0  }
0xeb: {  	s28 =	rddreg [dreg:$0xc];
	[sflag:s22] =	ssyncadd.s32 $0xFFFFC000  }
0xec: {  	[hbm4b:s28+s5] =	stream.strided.scatter [tilespmem:s15], [sflag:$0xD], $0x4000, s8, s5, $0x38;
	[tilespmem:$0x1C400] =	vst v63  }
0xed: {  	_ =	swait.ge [sflag:s18], $0x4000  }
0xee: {  	[sflag:s18] =	ssyncset.done $0x0  }
0xef: {  	s29 =	rddreg [dreg:$0xd];
	[sflag:s18] =	ssyncadd.s32 $0xFFFFC000  }
0xf0: {  	[hbm4b:s29+s5] =	stream.strided.scatter [tilespmem:s12], [sflag:$0xE], $0x4000, s8, s5, $0x38;
	[tilespmem:$0x1C400] =	vst v63  }
0xf1: {  	_ =	swait.ge [sflag:s4], $0x4000  }
0xf2: {  	[sflag:s4] =	ssyncset.done $0x0  }
0xf3: {  	s30 =	rddreg [dreg:$0xe];
	[sflag:s4] =	ssyncadd.s32 $0xFFFFC000  }
0xf4: {  	[hbm4b:s30+s5] =	stream.strided.scatter [tilespmem:s5], [sflag:$0x8], $0x4000, s8, s5, $0x38;
	[tilespmem:$0x1C400] =	vst v63  }
0xf5: {  	_ =	swait.ge [sflag:s16], $0x4000  }
0xf6: {  	[sflag:s16] =	ssyncset.done $0x0  }
0xf7: {  	[sflag:s16] =	ssyncadd.s32 $0xFFFFC000  }
0xf8: {  	_ =	swait.ge [sflag:s14], $0x4000  }
0xf9: {  	[sflag:s14] =	ssyncset.done $0x0  }
0xfa: {  	[sflag:s14] =	ssyncadd.s32 $0xFFFFC000  }
0xfb: {  	_ =	swait.ge [sflag:s13], $0x4000  }
0xfc: {  	[sflag:s13] =	ssyncset.done $0x0  }
0xfd: {  	[sflag:s13] =	ssyncadd.s32 $0xFFFFC000  }
0xfe: {  	_ =	swait.ge [sflag:s10], $0x4000  }
0xff: {  	[sflag:s10] =	ssyncset.done $0x0  }
0x100: {  	[sflag:s10] =	ssyncadd.s32 $0xFFFFC000  }
0x101: {  	_ =	swait.ge [sflag:s9], $0x4000  }
0x102: {  	[sflag:s9] =	ssyncset.done $0x0  }
0x103: {  	[sflag:s9] =	ssyncadd.s32 $0xFFFFC000  }
0x104: {  	_ =	swait.ge [sflag:s7], $0x4000  }
0x105: {  	[sflag:s7] =	ssyncset.done $0x0  }
0x106: {  	[sflag:s7] =	ssyncadd.s32 $0xFFFFC000  }
0x107: {  	_ =	swait.ge [sflag:s3], $0x4000  }
0x108: {  	[sflag:s3] =	ssyncset.done $0x0  }
0x109: {  	[sflag:s3] =	ssyncadd.s32 $0xFFFFC000  }
0x10a: {  	_ =	sfence.sel $0x180000  }
0x10b: {  	[bflag:$0x0] =	sbarrier.arrive $0xFFFF  }
0x10c: {  	_ =	strace $0x90000047  }
0x10d: {  	s31 =	stileid.u32;
	[bflag:$0x2] =	sbarrier.arrive $0xFFFF  }
0x10e: {  	p0 =	sne.s32 s31, $0x0;
	s0 =	rddreg [dreg:$0x4]  }
0x10f: {  	s0 =	sadd.s32 @!p0 $0x100000, s0  }
0x110: {  	[sflag:s0] =	ssyncadd.tile.s32 @!p0 $0x1;
	_ =	shalt  }
.LBB2_1:
.Ltmp3:
0x111: {  	(pc) =	sbr.rel .LBB2_6-.Ltmp3, $2  }
0x112: {  	_ =	sdelay $0x2  }
0x113: {  	s30 =	simm.s32 $0x300;
	s31 =	simm.s32 $0x380  }
.LBB2_3:
.Ltmp4:
0x114: {  	(pc) =	sbr.rel .LBB2_6-.Ltmp4, $2  }
0x115: {  	_ =	sdelay $0x2  }
0x116: {  	s30 =	simm.s32 $0x300;
	s31 =	simm.s32 $0x380  }
.Lfunc_end2:
_tile_overlayer_lowered:
.L_overlay_start_2:
0x117: {  	(tag) =	ssettag $0x2  }
0x118: {  	s0 =	rddreg [dreg:$0x0];
	s2 =	stileid.u32  }
0x119: {  	s1 =	rddreg [dreg:$0x1];
	p0 =	sne.s32 s2, $0x0  }
0x11a: {  	s3 =	rddreg [dreg:$0x2];
	[bflag:$0x3] =	sbarrier.arrive $0xFFFF;
	s2 =	simm.s32 @!p0 $0x1C0F  }
0x11b: {  	[timem:s3], [sflag:s2] =	dma.local @!p0 [hbm:s0], s1  }
0x11c: {  	s0 =	simm.s32 @!p0 $0xF  }
0x11d: {  	_ =	swait.ge @!p0 [sflag:s0], s1  }
0x11e: {  	s1 =	ssub.s32 @!p0 $0x0, s1;
	[sflag:s0] =	ssyncset.done @!p0 $0x0  }
0x11f: {  	[sflag:s0] =	ssyncadd.s32 @!p0 s1  }
0x120: {  	[bflag:$0x3] =	sbarrier.arrive $0xFFFF  }
0x121: {  	_ =	shalt  }

</sc_bundles>
